<compile_context>
chip_gen: v7x
topology: tpu7x:2x2x1
jax: 0.10.2.dev20260603
libtpu: 0.0.44.dev20260713+nightly
codegen_flags: <defaults>
</compile_context>

<pallas_src>
import functools

import jax
import jax.numpy as jnp
from jax import lax
from jax.experimental import pallas as pl
from jax.experimental.pallas import tpu as pltpu
from jax.experimental.pallas import tpu_sc as plsc

N_USERS = 1000000
N_ITEMS = 1000000
K = 32
BATCH = 16384

NC = 2
NS = 16
NW = NC * NS
B_PER_W = BATCH // NW
CHUNK = 128
NCHUNK = B_PER_W // CHUNK
L = 16


def _sc_body(u_hbm, i_hbm, ue_hbm, ie_hbm, ub_hbm, ib_hbm, out_hbm,
             idx_u, idx_i, rows_u, rows_i, bias_u, bias_i, out_v, sem):
    wid = lax.axis_index("s") * NC + lax.axis_index("c")
    pltpu.sync_copy(u_hbm.at[pl.ds(wid * NCHUNK, NCHUNK)], idx_u)
    pltpu.sync_copy(i_hbm.at[pl.ds(wid * NCHUNK, NCHUNK)], idx_i)

    copies = []
    for j in range(NCHUNK):
        rsl = pl.ds(j * CHUNK, CHUNK)
        copies.append(pltpu.async_copy(ue_hbm.at[idx_u.at[j]], rows_u.at[rsl], sem))
        copies.append(pltpu.async_copy(ie_hbm.at[idx_i.at[j]], rows_i.at[rsl], sem))
        copies.append(pltpu.async_copy(ub_hbm.at[idx_u.at[j]], bias_u.at[rsl], sem))
        copies.append(pltpu.async_copy(ib_hbm.at[idx_i.at[j]], bias_i.at[rsl], sem))
    for c in copies:
        c.wait()

    def group(g, _):
        rid = g * L + lax.iota(jnp.int32, L)
        acc = bias_u[pl.ds(g * L, L)] + bias_i[pl.ds(g * L, L)]
        for k in range(K):
            kv = jnp.full((L,), k, jnp.int32)
            uv = plsc.load_gather(rows_u, [rid, kv])
            iv = plsc.load_gather(rows_i, [rid, kv])
            acc = acc + uv * iv
        out_v[pl.ds(g * L, L)] = acc
        return ()

    lax.fori_loop(0, B_PER_W // L, group, (), unroll=1)

    pltpu.sync_copy(out_v, out_hbm.at[pl.ds(wid * B_PER_W, B_PER_W)])


@functools.partial(jax.jit, static_argnames=())
def kernel(u, i, user_emb, item_emb, user_bias, item_bias):
    mesh = plsc.VectorSubcoreMesh(core_axis_name="c", subcore_axis_name="s",
                                  num_cores=NC, num_subcores=NS)
    run = pl.kernel(
        _sc_body,
        out_type=jax.ShapeDtypeStruct((BATCH,), jnp.float32),
        mesh=mesh,
        compiler_params=pltpu.CompilerParams(needs_layout_passes=False,
                                             use_tc_tiling_on_sc=False),
        scratch_types=[
            pltpu.VMEM((NCHUNK, CHUNK), jnp.int32),
            pltpu.VMEM((NCHUNK, CHUNK), jnp.int32),
            pltpu.VMEM((B_PER_W, K), jnp.float32),
            pltpu.VMEM((B_PER_W, K), jnp.float32),
            pltpu.VMEM((B_PER_W,), jnp.float32),
            pltpu.VMEM((B_PER_W,), jnp.float32),
            pltpu.VMEM((B_PER_W,), jnp.float32),
            pltpu.SemaphoreType.DMA,
        ],
    )
    u2 = u.astype(jnp.int32).reshape(NW * NCHUNK, CHUNK)
    i2 = i.astype(jnp.int32).reshape(NW * NCHUNK, CHUNK)
    return run(u2, i2, user_emb, item_emb,
               user_bias.reshape(-1), item_bias.reshape(-1))

# --- scband reference (transcript-rebuilt; emitter-appended) ---
"""Pipeline reference for scband-mf-bpr-68504728371844 (READ-ONLY COPY).

The authoritative reference and input builder live on the scoring server;
editing this copy changes nothing except your own understanding.
"""

import jax, jax.numpy as jnp
import numpy as np

N_USERS = 1000000
N_ITEMS = 1000000
K = 32
BATCH = 16384

def setup_inputs(seed: int = 0) -> dict:
    key = jax.random.key(seed)
    k1, k2, k3, k4 = jax.random.split(key, 4)
    u = jax.random.randint(k1, (BATCH,), 0, N_USERS, dtype=jnp.int64 if jax.config.jax_enable_x64 else jnp.int32)
    i = jax.random.randint(k2, (BATCH,), 0, N_ITEMS, dtype=jnp.int64 if jax.config.jax_enable_x64 else jnp.int32)
    user_emb = jax.random.normal(k3, (N_USERS, K), dtype=jnp.float32) * 0.01
    item_emb = jax.random.normal(k4, (N_ITEMS, K), dtype=jnp.float32) * 0.01
    user_bias = jnp.zeros((N_USERS, 1), dtype=jnp.float32)
    item_bias = jnp.zeros((N_ITEMS, 1), dtype=jnp.float32)
    return {"u": u, "i": i, "user_emb": user_emb, "item_emb": item_emb, "user_bias": user_bias, "item_bias": item_bias}

def reference(u, i, user_emb, item_emb, user_bias, item_bias):
    ue = jnp.take(user_emb, u, axis=0)
    ie = jnp.take(item_emb, i, axis=0)
    ub = jnp.take(user_bias, u, axis=0).squeeze(-1)
    ib = jnp.take(item_bias, i, axis=0).squeeze(-1)
    return (ue * ie).sum(axis=1) + ub + ib

if __name__ == "__main__":
    import jax
    _d = setup_inputs()
    print(jax.jit(kernel)(*tuple(_d.values())))

</pallas_src>

<mosaic_0001>
#map = affine_map<(d0, d1) -> (0, 0)>
#map1 = affine_map<(d0, d1) -> (0)>
module attributes {stable_mosaic.version = 14 : i64} {
  func.func @_sc_body(%arg0: i32, %arg1: i32, %arg2: memref<128x128xi32, #tpu.memory_space<hbm>>, %arg3: memref<128x128xi32, #tpu.memory_space<hbm>>, %arg4: memref<1000000x32xf32, #tpu.memory_space<hbm>>, %arg5: memref<1000000x32xf32, #tpu.memory_space<hbm>>, %arg6: memref<1000000xf32, #tpu.memory_space<hbm>>, %arg7: memref<1000000xf32, #tpu.memory_space<hbm>>, %arg8: memref<16384xf32, #tpu.memory_space<hbm>>, %arg9: memref<4x128xi32, #tpu.memory_space<vmem>>, %arg10: memref<4x128xi32, #tpu.memory_space<vmem>>, %arg11: memref<512x32xf32, #tpu.memory_space<vmem>>, %arg12: memref<512x32xf32, #tpu.memory_space<vmem>>, %arg13: memref<512xf32, #tpu.memory_space<vmem>>, %arg14: memref<512xf32, #tpu.memory_space<vmem>>, %arg15: memref<512xf32, #tpu.memory_space<vmem>>, %arg16: memref<!tpu.dma_semaphore, #tpu.memory_space<semaphore_mem>>) attributes {dimension_semantics = [#tpu.dimension_semantics<core_parallel>, #tpu.dimension_semantics<subcore_parallel>], iteration_bounds = array<i64: 2, 16>, scalar_prefetch = 0 : i64, scratch_operands = 8 : i64, tpu.core_type = #tpu.core_type<sc_vector_subcore>, window_params = [{transform_indices = #map}, {transform_indices = #map}, {transform_indices = #map}, {transform_indices = #map}, {transform_indices = #map1}, {transform_indices = #map1}, {transform_indices = #map1}]} {
    %mul3A = arith.constant 2 : i32
    %mul3A_0 = arith.muli %arg1, %mul3A : i32
    %add3A = arith.addi %mul3A_0, %arg0 : i32
    %mul3A_1 = arith.constant 4 : i32
    %mul3A_2 = arith.muli %add3A, %mul3A_1 : i32
    "tpu.region"() ({
      %run_scoped3A = tpu.sem_alloc : memref<!tpu.dma_semaphore, #tpu.memory_space<semaphore_mem>>
      %dma_start3A_297 = arith.constant 0 : i32
      %dma_start3A_298 = tpu.memref_slice %arg2[%mul3A_2, %dma_start3A_297] : memref<128x128xi32, #tpu.memory_space<hbm>> -> memref<4x128xi32, #tpu.memory_space<hbm>>
      %dma_start3A_299 = arith.constant 0 : i32
      %dma_start3A_300 = tpu.memref_slice %arg2[%mul3A_2, %dma_start3A_299] : memref<128x128xi32, #tpu.memory_space<hbm>> -> memref<4x128xi32, #tpu.memory_space<hbm>>
      tpu.enqueue_dma source(%dma_start3A_300 : memref<4x128xi32, #tpu.memory_space<hbm>>) target(%arg9 : memref<4x128xi32, #tpu.memory_space<vmem>>) target_semaphore(%run_scoped3A : memref<!tpu.dma_semaphore, #tpu.memory_space<semaphore_mem>>)
      %dma_wait3A_301 = arith.constant 0 : i32
      %dma_wait3A_302 = tpu.memref_slice %arg2[%mul3A_2, %dma_wait3A_301] : memref<128x128xi32, #tpu.memory_space<hbm>> -> memref<4x128xi32, #tpu.memory_space<hbm>>
      %dma_wait3A_303 = arith.constant 0 : i32
      %dma_wait3A_304 = tpu.memref_slice %arg2[%mul3A_2, %dma_wait3A_303] : memref<128x128xi32, #tpu.memory_space<hbm>> -> memref<4x128xi32, #tpu.memory_space<hbm>>
      tpu.wait_dma2 semaphore(%run_scoped3A : memref<!tpu.dma_semaphore, #tpu.memory_space<semaphore_mem>>) src(%dma_wait3A_304 : memref<4x128xi32, #tpu.memory_space<hbm>>) dst(%arg9 : memref<4x128xi32, #tpu.memory_space<vmem>>)
      tpu.yield
    }) : () -> ()
    %mul3A_3 = arith.constant 4 : i32
    %mul3A_4 = arith.muli %add3A, %mul3A_3 : i32
    "tpu.region"() ({
      %run_scoped3A = tpu.sem_alloc : memref<!tpu.dma_semaphore, #tpu.memory_space<semaphore_mem>>
      %dma_start3A_297 = arith.constant 0 : i32
      %dma_start3A_298 = tpu.memref_slice %arg3[%mul3A_4, %dma_start3A_297] : memref<128x128xi32, #tpu.memory_space<hbm>> -> memref<4x128xi32, #tpu.memory_space<hbm>>
      %dma_start3A_299 = arith.constant 0 : i32
      %dma_start3A_300 = tpu.memref_slice %arg3[%mul3A_4, %dma_start3A_299] : memref<128x128xi32, #tpu.memory_space<hbm>> -> memref<4x128xi32, #tpu.memory_space<hbm>>
      tpu.enqueue_dma source(%dma_start3A_300 : memref<4x128xi32, #tpu.memory_space<hbm>>) target(%arg10 : memref<4x128xi32, #tpu.memory_space<vmem>>) target_semaphore(%run_scoped3A : memref<!tpu.dma_semaphore, #tpu.memory_space<semaphore_mem>>)
      %dma_wait3A_301 = arith.constant 0 : i32
      %dma_wait3A_302 = tpu.memref_slice %arg3[%mul3A_4, %dma_wait3A_301] : memref<128x128xi32, #tpu.memory_space<hbm>> -> memref<4x128xi32, #tpu.memory_space<hbm>>
      %dma_wait3A_303 = arith.constant 0 : i32
      %dma_wait3A_304 = tpu.memref_slice %arg3[%mul3A_4, %dma_wait3A_303] : memref<128x128xi32, #tpu.memory_space<hbm>> -> memref<4x128xi32, #tpu.memory_space<hbm>>
      tpu.wait_dma2 semaphore(%run_scoped3A : memref<!tpu.dma_semaphore, #tpu.memory_space<semaphore_mem>>) src(%dma_wait3A_304 : memref<4x128xi32, #tpu.memory_space<hbm>>) dst(%arg10 : memref<4x128xi32, #tpu.memory_space<vmem>>)
      tpu.yield
    }) : () -> ()
    %dma_start3A = arith.constant 0 : i32
    %dma_start3A_5 = arith.constant 0 : i32
    %dma_start3A_6 = arith.constant 0 : i32
    %dma_start3A_7 = tpu.memref_slice %arg11[%dma_start3A_5, %dma_start3A_6] : memref<512x32xf32, #tpu.memory_space<vmem>> -> memref<128x32xf32, #tpu.memory_space<vmem>>
    %dma_start3A_8 = arith.constant 0 : i32
    %dma_start3A_9 = tpu.memref_slice %arg9[%dma_start3A, %dma_start3A_8] : memref<4x128xi32, #tpu.memory_space<vmem>> -> memref<1x128xi32, #tpu.memory_space<vmem>>
    %dma_start3A_10 = tpu.memref_squeeze %dma_start3A_9 : memref<1x128xi32, #tpu.memory_space<vmem>> -> memref<128xi32, #tpu.memory_space<vmem>>
    %dma_start3A_11 = arith.constant 0 : i32
    %dma_start3A_12 = arith.constant 0 : i32
    %dma_start3A_13 = tpu.memref_slice %arg4[%dma_start3A_11, %dma_start3A_12] : memref<1000000x32xf32, #tpu.memory_space<hbm>> -> memref<1000000x32xf32, #tpu.memory_space<hbm>>
    tpu.enqueue_indirect_dma source(%dma_start3A_13 : memref<1000000x32xf32, #tpu.memory_space<hbm>>) target(%dma_start3A_7 : memref<128x32xf32, #tpu.memory_space<vmem>>) offsets(%dma_start3A_10 : memref<128xi32, #tpu.memory_space<vmem>>) semaphore(%arg16 : memref<!tpu.dma_semaphore, #tpu.memory_space<semaphore_mem>>)
    %dma_start3A_14 = arith.constant 0 : i32
    %dma_start3A_15 = arith.constant 0 : i32
    %dma_start3A_16 = arith.constant 0 : i32
    %dma_start3A_17 = tpu.memref_slice %arg12[%dma_start3A_15, %dma_start3A_16] : memref<512x32xf32, #tpu.memory_space<vmem>> -> memref<128x32xf32, #tpu.memory_space<vmem>>
    %dma_start3A_18 = arith.constant 0 : i32
    %dma_start3A_19 = tpu.memref_slice %arg10[%dma_start3A_14, %dma_start3A_18] : memref<4x128xi32, #tpu.memory_space<vmem>> -> memref<1x128xi32, #tpu.memory_space<vmem>>
    %dma_start3A_20 = tpu.memref_squeeze %dma_start3A_19 : memref<1x128xi32, #tpu.memory_space<vmem>> -> memref<128xi32, #tpu.memory_space<vmem>>
    %dma_start3A_21 = arith.constant 0 : i32
    %dma_start3A_22 = arith.constant 0 : i32
    %dma_start3A_23 = tpu.memref_slice %arg5[%dma_start3A_21, %dma_start3A_22] : memref<1000000x32xf32, #tpu.memory_space<hbm>> -> memref<1000000x32xf32, #tpu.memory_space<hbm>>
    tpu.enqueue_indirect_dma source(%dma_start3A_23 : memref<1000000x32xf32, #tpu.memory_space<hbm>>) target(%dma_start3A_17 : memref<128x32xf32, #tpu.memory_space<vmem>>) offsets(%dma_start3A_20 : memref<128xi32, #tpu.memory_space<vmem>>) semaphore(%arg16 : memref<!tpu.dma_semaphore, #tpu.memory_space<semaphore_mem>>)
    %dma_start3A_24 = arith.constant 0 : i32
    %dma_start3A_25 = arith.constant 0 : i32
    %dma_start3A_26 = tpu.memref_slice %arg13[%dma_start3A_25] : memref<512xf32, #tpu.memory_space<vmem>> -> memref<128xf32, #tpu.memory_space<vmem>>
    %dma_start3A_27 = arith.constant 0 : i32
    %dma_start3A_28 = tpu.memref_slice %arg9[%dma_start3A_24, %dma_start3A_27] : memref<4x128xi32, #tpu.memory_space<vmem>> -> memref<1x128xi32, #tpu.memory_space<vmem>>
    %dma_start3A_29 = tpu.memref_squeeze %dma_start3A_28 : memref<1x128xi32, #tpu.memory_space<vmem>> -> memref<128xi32, #tpu.memory_space<vmem>>
    %dma_start3A_30 = arith.constant 0 : i32
    %dma_start3A_31 = tpu.memref_slice %arg6[%dma_start3A_30] : memref<1000000xf32, #tpu.memory_space<hbm>> -> memref<1000000xf32, #tpu.memory_space<hbm>>
    tpu.enqueue_indirect_dma source(%dma_start3A_31 : memref<1000000xf32, #tpu.memory_space<hbm>>) target(%dma_start3A_26 : memref<128xf32, #tpu.memory_space<vmem>>) offsets(%dma_start3A_29 : memref<128xi32, #tpu.memory_space<vmem>>) semaphore(%arg16 : memref<!tpu.dma_semaphore, #tpu.memory_space<semaphore_mem>>)
    %dma_start3A_32 = arith.constant 0 : i32
    %dma_start3A_33 = arith.constant 0 : i32
    %dma_start3A_34 = tpu.memref_slice %arg14[%dma_start3A_33] : memref<512xf32, #tpu.memory_space<vmem>> -> memref<128xf32, #tpu.memory_space<vmem>>
    %dma_start3A_35 = arith.constant 0 : i32
    %dma_start3A_36 = tpu.memref_slice %arg10[%dma_start3A_32, %dma_start3A_35] : memref<4x128xi32, #tpu.memory_space<vmem>> -> memref<1x128xi32, #tpu.memory_space<vmem>>
    %dma_start3A_37 = tpu.memref_squeeze %dma_start3A_36 : memref<1x128xi32, #tpu.memory_space<vmem>> -> memref<128xi32, #tpu.memory_space<vmem>>
    %dma_start3A_38 = arith.constant 0 : i32
    %dma_start3A_39 = tpu.memref_slice %arg7[%dma_start3A_38] : memref<1000000xf32, #tpu.memory_space<hbm>> -> memref<1000000xf32, #tpu.memory_space<hbm>>
    tpu.enqueue_indirect_dma source(%dma_start3A_39 : memref<1000000xf32, #tpu.memory_space<hbm>>) target(%dma_start3A_34 : memref<128xf32, #tpu.memory_space<vmem>>) offsets(%dma_start3A_37 : memref<128xi32, #tpu.memory_space<vmem>>) semaphore(%arg16 : memref<!tpu.dma_semaphore, #tpu.memory_space<semaphore_mem>>)
    %dma_start3A_40 = arith.constant 1 : i32
    %dma_start3A_41 = arith.constant 128 : i32
    %dma_start3A_42 = arith.constant 0 : i32
    %dma_start3A_43 = tpu.memref_slice %arg11[%dma_start3A_41, %dma_start3A_42] : memref<512x32xf32, #tpu.memory_space<vmem>> -> memref<128x32xf32, #tpu.memory_space<vmem>>
    %dma_start3A_44 = arith.constant 0 : i32
    %dma_start3A_45 = tpu.memref_slice %arg9[%dma_start3A_40, %dma_start3A_44] : memref<4x128xi32, #tpu.memory_space<vmem>> -> memref<1x128xi32, #tpu.memory_space<vmem>>
    %dma_start3A_46 = tpu.memref_squeeze %dma_start3A_45 : memref<1x128xi32, #tpu.memory_space<vmem>> -> memref<128xi32, #tpu.memory_space<vmem>>
    %dma_start3A_47 = arith.constant 0 : i32
    %dma_start3A_48 = arith.constant 0 : i32
    %dma_start3A_49 = tpu.memref_slice %arg4[%dma_start3A_47, %dma_start3A_48] : memref<1000000x32xf32, #tpu.memory_space<hbm>> -> memref<1000000x32xf32, #tpu.memory_space<hbm>>
    tpu.enqueue_indirect_dma source(%dma_start3A_49 : memref<1000000x32xf32, #tpu.memory_space<hbm>>) target(%dma_start3A_43 : memref<128x32xf32, #tpu.memory_space<vmem>>) offsets(%dma_start3A_46 : memref<128xi32, #tpu.memory_space<vmem>>) semaphore(%arg16 : memref<!tpu.dma_semaphore, #tpu.memory_space<semaphore_mem>>)
    %dma_start3A_50 = arith.constant 1 : i32
    %dma_start3A_51 = arith.constant 128 : i32
    %dma_start3A_52 = arith.constant 0 : i32
    %dma_start3A_53 = tpu.memref_slice %arg12[%dma_start3A_51, %dma_start3A_52] : memref<512x32xf32, #tpu.memory_space<vmem>> -> memref<128x32xf32, #tpu.memory_space<vmem>>
    %dma_start3A_54 = arith.constant 0 : i32
    %dma_start3A_55 = tpu.memref_slice %arg10[%dma_start3A_50, %dma_start3A_54] : memref<4x128xi32, #tpu.memory_space<vmem>> -> memref<1x128xi32, #tpu.memory_space<vmem>>
    %dma_start3A_56 = tpu.memref_squeeze %dma_start3A_55 : memref<1x128xi32, #tpu.memory_space<vmem>> -> memref<128xi32, #tpu.memory_space<vmem>>
    %dma_start3A_57 = arith.constant 0 : i32
    %dma_start3A_58 = arith.constant 0 : i32
    %dma_start3A_59 = tpu.memref_slice %arg5[%dma_start3A_57, %dma_start3A_58] : memref<1000000x32xf32, #tpu.memory_space<hbm>> -> memref<1000000x32xf32, #tpu.memory_space<hbm>>
    tpu.enqueue_indirect_dma source(%dma_start3A_59 : memref<1000000x32xf32, #tpu.memory_space<hbm>>) target(%dma_start3A_53 : memref<128x32xf32, #tpu.memory_space<vmem>>) offsets(%dma_start3A_56 : memref<128xi32, #tpu.memory_space<vmem>>) semaphore(%arg16 : memref<!tpu.dma_semaphore, #tpu.memory_space<semaphore_mem>>)
    %dma_start3A_60 = arith.constant 1 : i32
    %dma_start3A_61 = arith.constant 128 : i32
    %dma_start3A_62 = tpu.memref_slice %arg13[%dma_start3A_61] : memref<512xf32, #tpu.memory_space<vmem>> -> memref<128xf32, #tpu.memory_space<vmem>>
    %dma_start3A_63 = arith.constant 0 : i32
    %dma_start3A_64 = tpu.memref_slice %arg9[%dma_start3A_60, %dma_start3A_63] : memref<4x128xi32, #tpu.memory_space<vmem>> -> memref<1x128xi32, #tpu.memory_space<vmem>>
    %dma_start3A_65 = tpu.memref_squeeze %dma_start3A_64 : memref<1x128xi32, #tpu.memory_space<vmem>> -> memref<128xi32, #tpu.memory_space<vmem>>
    %dma_start3A_66 = arith.constant 0 : i32
    %dma_start3A_67 = tpu.memref_slice %arg6[%dma_start3A_66] : memref<1000000xf32, #tpu.memory_space<hbm>> -> memref<1000000xf32, #tpu.memory_space<hbm>>
    tpu.enqueue_indirect_dma source(%dma_start3A_67 : memref<1000000xf32, #tpu.memory_space<hbm>>) target(%dma_start3A_62 : memref<128xf32, #tpu.memory_space<vmem>>) offsets(%dma_start3A_65 : memref<128xi32, #tpu.memory_space<vmem>>) semaphore(%arg16 : memref<!tpu.dma_semaphore, #tpu.memory_space<semaphore_mem>>)
    %dma_start3A_68 = arith.constant 1 : i32
    %dma_start3A_69 = arith.constant 128 : i32
    %dma_start3A_70 = tpu.memref_slice %arg14[%dma_start3A_69] : memref<512xf32, #tpu.memory_space<vmem>> -> memref<128xf32, #tpu.memory_space<vmem>>
    %dma_start3A_71 = arith.constant 0 : i32
    %dma_start3A_72 = tpu.memref_slice %arg10[%dma_start3A_68, %dma_start3A_71] : memref<4x128xi32, #tpu.memory_space<vmem>> -> memref<1x128xi32, #tpu.memory_space<vmem>>
    %dma_start3A_73 = tpu.memref_squeeze %dma_start3A_72 : memref<1x128xi32, #tpu.memory_space<vmem>> -> memref<128xi32, #tpu.memory_space<vmem>>
    %dma_start3A_74 = arith.constant 0 : i32
    %dma_start3A_75 = tpu.memref_slice %arg7[%dma_start3A_74] : memref<1000000xf32, #tpu.memory_space<hbm>> -> memref<1000000xf32, #tpu.memory_space<hbm>>
    tpu.enqueue_indirect_dma source(%dma_start3A_75 : memref<1000000xf32, #tpu.memory_space<hbm>>) target(%dma_start3A_70 : memref<128xf32, #tpu.memory_space<vmem>>) offsets(%dma_start3A_73 : memref<128xi32, #tpu.memory_space<vmem>>) semaphore(%arg16 : memref<!tpu.dma_semaphore, #tpu.memory_space<semaphore_mem>>)
    %dma_start3A_76 = arith.constant 2 : i32
    %dma_start3A_77 = arith.constant 256 : i32
    %dma_start3A_78 = arith.constant 0 : i32
    %dma_start3A_79 = tpu.memref_slice %arg11[%dma_start3A_77, %dma_start3A_78] : memref<512x32xf32, #tpu.memory_space<vmem>> -> memref<128x32xf32, #tpu.memory_space<vmem>>
    %dma_start3A_80 = arith.constant 0 : i32
    %dma_start3A_81 = tpu.memref_slice %arg9[%dma_start3A_76, %dma_start3A_80] : memref<4x128xi32, #tpu.memory_space<vmem>> -> memref<1x128xi32, #tpu.memory_space<vmem>>
    %dma_start3A_82 = tpu.memref_squeeze %dma_start3A_81 : memref<1x128xi32, #tpu.memory_space<vmem>> -> memref<128xi32, #tpu.memory_space<vmem>>
    %dma_start3A_83 = arith.constant 0 : i32
    %dma_start3A_84 = arith.constant 0 : i32
    %dma_start3A_85 = tpu.memref_slice %arg4[%dma_start3A_83, %dma_start3A_84] : memref<1000000x32xf32, #tpu.memory_space<hbm>> -> memref<1000000x32xf32, #tpu.memory_space<hbm>>
    tpu.enqueue_indirect_dma source(%dma_start3A_85 : memref<1000000x32xf32, #tpu.memory_space<hbm>>) target(%dma_start3A_79 : memref<128x32xf32, #tpu.memory_space<vmem>>) offsets(%dma_start3A_82 : memref<128xi32, #tpu.memory_space<vmem>>) semaphore(%arg16 : memref<!tpu.dma_semaphore, #tpu.memory_space<semaphore_mem>>)
    %dma_start3A_86 = arith.constant 2 : i32
    %dma_start3A_87 = arith.constant 256 : i32
    %dma_start3A_88 = arith.constant 0 : i32
    %dma_start3A_89 = tpu.memref_slice %arg12[%dma_start3A_87, %dma_start3A_88] : memref<512x32xf32, #tpu.memory_space<vmem>> -> memref<128x32xf32, #tpu.memory_space<vmem>>
    %dma_start3A_90 = arith.constant 0 : i32
    %dma_start3A_91 = tpu.memref_slice %arg10[%dma_start3A_86, %dma_start3A_90] : memref<4x128xi32, #tpu.memory_space<vmem>> -> memref<1x128xi32, #tpu.memory_space<vmem>>
    %dma_start3A_92 = tpu.memref_squeeze %dma_start3A_91 : memref<1x128xi32, #tpu.memory_space<vmem>> -> memref<128xi32, #tpu.memory_space<vmem>>
    %dma_start3A_93 = arith.constant 0 : i32
    %dma_start3A_94 = arith.constant 0 : i32
    %dma_start3A_95 = tpu.memref_slice %arg5[%dma_start3A_93, %dma_start3A_94] : memref<1000000x32xf32, #tpu.memory_space<hbm>> -> memref<1000000x32xf32, #tpu.memory_space<hbm>>
    tpu.enqueue_indirect_dma source(%dma_start3A_95 : memref<1000000x32xf32, #tpu.memory_space<hbm>>) target(%dma_start3A_89 : memref<128x32xf32, #tpu.memory_space<vmem>>) offsets(%dma_start3A_92 : memref<128xi32, #tpu.memory_space<vmem>>) semaphore(%arg16 : memref<!tpu.dma_semaphore, #tpu.memory_space<semaphore_mem>>)
    %dma_start3A_96 = arith.constant 2 : i32
    %dma_start3A_97 = arith.constant 256 : i32
    %dma_start3A_98 = tpu.memref_slice %arg13[%dma_start3A_97] : memref<512xf32, #tpu.memory_space<vmem>> -> memref<128xf32, #tpu.memory_space<vmem>>
    %dma_start3A_99 = arith.constant 0 : i32
    %dma_start3A_100 = tpu.memref_slice %arg9[%dma_start3A_96, %dma_start3A_99] : memref<4x128xi32, #tpu.memory_space<vmem>> -> memref<1x128xi32, #tpu.memory_space<vmem>>
    %dma_start3A_101 = tpu.memref_squeeze %dma_start3A_100 : memref<1x128xi32, #tpu.memory_space<vmem>> -> memref<128xi32, #tpu.memory_space<vmem>>
    %dma_start3A_102 = arith.constant 0 : i32
    %dma_start3A_103 = tpu.memref_slice %arg6[%dma_start3A_102] : memref<1000000xf32, #tpu.memory_space<hbm>> -> memref<1000000xf32, #tpu.memory_space<hbm>>
    tpu.enqueue_indirect_dma source(%dma_start3A_103 : memref<1000000xf32, #tpu.memory_space<hbm>>) target(%dma_start3A_98 : memref<128xf32, #tpu.memory_space<vmem>>) offsets(%dma_start3A_101 : memref<128xi32, #tpu.memory_space<vmem>>) semaphore(%arg16 : memref<!tpu.dma_semaphore, #tpu.memory_space<semaphore_mem>>)
    %dma_start3A_104 = arith.constant 2 : i32
    %dma_start3A_105 = arith.constant 256 : i32
    %dma_start3A_106 = tpu.memref_slice %arg14[%dma_start3A_105] : memref<512xf32, #tpu.memory_space<vmem>> -> memref<128xf32, #tpu.memory_space<vmem>>
    %dma_start3A_107 = arith.constant 0 : i32
    %dma_start3A_108 = tpu.memref_slice %arg10[%dma_start3A_104, %dma_start3A_107] : memref<4x128xi32, #tpu.memory_space<vmem>> -> memref<1x128xi32, #tpu.memory_space<vmem>>
    %dma_start3A_109 = tpu.memref_squeeze %dma_start3A_108 : memref<1x128xi32, #tpu.memory_space<vmem>> -> memref<128xi32, #tpu.memory_space<vmem>>
    %dma_start3A_110 = arith.constant 0 : i32
    %dma_start3A_111 = tpu.memref_slice %arg7[%dma_start3A_110] : memref<1000000xf32, #tpu.memory_space<hbm>> -> memref<1000000xf32, #tpu.memory_space<hbm>>
    tpu.enqueue_indirect_dma source(%dma_start3A_111 : memref<1000000xf32, #tpu.memory_space<hbm>>) target(%dma_start3A_106 : memref<128xf32, #tpu.memory_space<vmem>>) offsets(%dma_start3A_109 : memref<128xi32, #tpu.memory_space<vmem>>) semaphore(%arg16 : memref<!tpu.dma_semaphore, #tpu.memory_space<semaphore_mem>>)
    %dma_start3A_112 = arith.constant 3 : i32
    %dma_start3A_113 = arith.constant 384 : i32
    %dma_start3A_114 = arith.constant 0 : i32
    %dma_start3A_115 = tpu.memref_slice %arg11[%dma_start3A_113, %dma_start3A_114] : memref<512x32xf32, #tpu.memory_space<vmem>> -> memref<128x32xf32, #tpu.memory_space<vmem>>
    %dma_start3A_116 = arith.constant 0 : i32
    %dma_start3A_117 = tpu.memref_slice %arg9[%dma_start3A_112, %dma_start3A_116] : memref<4x128xi32, #tpu.memory_space<vmem>> -> memref<1x128xi32, #tpu.memory_space<vmem>>
    %dma_start3A_118 = tpu.memref_squeeze %dma_start3A_117 : memref<1x128xi32, #tpu.memory_space<vmem>> -> memref<128xi32, #tpu.memory_space<vmem>>
    %dma_start3A_119 = arith.constant 0 : i32
    %dma_start3A_120 = arith.constant 0 : i32
    %dma_start3A_121 = tpu.memref_slice %arg4[%dma_start3A_119, %dma_start3A_120] : memref<1000000x32xf32, #tpu.memory_space<hbm>> -> memref<1000000x32xf32, #tpu.memory_space<hbm>>
    tpu.enqueue_indirect_dma source(%dma_start3A_121 : memref<1000000x32xf32, #tpu.memory_space<hbm>>) target(%dma_start3A_115 : memref<128x32xf32, #tpu.memory_space<vmem>>) offsets(%dma_start3A_118 : memref<128xi32, #tpu.memory_space<vmem>>) semaphore(%arg16 : memref<!tpu.dma_semaphore, #tpu.memory_space<semaphore_mem>>)
    %dma_start3A_122 = arith.constant 3 : i32
    %dma_start3A_123 = arith.constant 384 : i32
    %dma_start3A_124 = arith.constant 0 : i32
    %dma_start3A_125 = tpu.memref_slice %arg12[%dma_start3A_123, %dma_start3A_124] : memref<512x32xf32, #tpu.memory_space<vmem>> -> memref<128x32xf32, #tpu.memory_space<vmem>>
    %dma_start3A_126 = arith.constant 0 : i32
    %dma_start3A_127 = tpu.memref_slice %arg10[%dma_start3A_122, %dma_start3A_126] : memref<4x128xi32, #tpu.memory_space<vmem>> -> memref<1x128xi32, #tpu.memory_space<vmem>>
    %dma_start3A_128 = tpu.memref_squeeze %dma_start3A_127 : memref<1x128xi32, #tpu.memory_space<vmem>> -> memref<128xi32, #tpu.memory_space<vmem>>
    %dma_start3A_129 = arith.constant 0 : i32
    %dma_start3A_130 = arith.constant 0 : i32
    %dma_start3A_131 = tpu.memref_slice %arg5[%dma_start3A_129, %dma_start3A_130] : memref<1000000x32xf32, #tpu.memory_space<hbm>> -> memref<1000000x32xf32, #tpu.memory_space<hbm>>
    tpu.enqueue_indirect_dma source(%dma_start3A_131 : memref<1000000x32xf32, #tpu.memory_space<hbm>>) target(%dma_start3A_125 : memref<128x32xf32, #tpu.memory_space<vmem>>) offsets(%dma_start3A_128 : memref<128xi32, #tpu.memory_space<vmem>>) semaphore(%arg16 : memref<!tpu.dma_semaphore, #tpu.memory_space<semaphore_mem>>)
    %dma_start3A_132 = arith.constant 3 : i32
    %dma_start3A_133 = arith.constant 384 : i32
    %dma_start3A_134 = tpu.memref_slice %arg13[%dma_start3A_133] : memref<512xf32, #tpu.memory_space<vmem>> -> memref<128xf32, #tpu.memory_space<vmem>>
    %dma_start3A_135 = arith.constant 0 : i32
    %dma_start3A_136 = tpu.memref_slice %arg9[%dma_start3A_132, %dma_start3A_135] : memref<4x128xi32, #tpu.memory_space<vmem>> -> memref<1x128xi32, #tpu.memory_space<vmem>>
    %dma_start3A_137 = tpu.memref_squeeze %dma_start3A_136 : memref<1x128xi32, #tpu.memory_space<vmem>> -> memref<128xi32, #tpu.memory_space<vmem>>
    %dma_start3A_138 = arith.constant 0 : i32
    %dma_start3A_139 = tpu.memref_slice %arg6[%dma_start3A_138] : memref<1000000xf32, #tpu.memory_space<hbm>> -> memref<1000000xf32, #tpu.memory_space<hbm>>
    tpu.enqueue_indirect_dma source(%dma_start3A_139 : memref<1000000xf32, #tpu.memory_space<hbm>>) target(%dma_start3A_134 : memref<128xf32, #tpu.memory_space<vmem>>) offsets(%dma_start3A_137 : memref<128xi32, #tpu.memory_space<vmem>>) semaphore(%arg16 : memref<!tpu.dma_semaphore, #tpu.memory_space<semaphore_mem>>)
    %dma_start3A_140 = arith.constant 3 : i32
    %dma_start3A_141 = arith.constant 384 : i32
    %dma_start3A_142 = tpu.memref_slice %arg14[%dma_start3A_141] : memref<512xf32, #tpu.memory_space<vmem>> -> memref<128xf32, #tpu.memory_space<vmem>>
    %dma_start3A_143 = arith.constant 0 : i32
    %dma_start3A_144 = tpu.memref_slice %arg10[%dma_start3A_140, %dma_start3A_143] : memref<4x128xi32, #tpu.memory_space<vmem>> -> memref<1x128xi32, #tpu.memory_space<vmem>>
    %dma_start3A_145 = tpu.memref_squeeze %dma_start3A_144 : memref<1x128xi32, #tpu.memory_space<vmem>> -> memref<128xi32, #tpu.memory_space<vmem>>
    %dma_start3A_146 = arith.constant 0 : i32
    %dma_start3A_147 = tpu.memref_slice %arg7[%dma_start3A_146] : memref<1000000xf32, #tpu.memory_space<hbm>> -> memref<1000000xf32, #tpu.memory_space<hbm>>
    tpu.enqueue_indirect_dma source(%dma_start3A_147 : memref<1000000xf32, #tpu.memory_space<hbm>>) target(%dma_start3A_142 : memref<128xf32, #tpu.memory_space<vmem>>) offsets(%dma_start3A_145 : memref<128xi32, #tpu.memory_space<vmem>>) semaphore(%arg16 : memref<!tpu.dma_semaphore, #tpu.memory_space<semaphore_mem>>)
    %dma_wait3A = arith.constant 0 : i32
    %dma_wait3A_148 = arith.constant 0 : i32
    %dma_wait3A_149 = arith.constant 0 : i32
    %dma_wait3A_150 = tpu.memref_slice %arg11[%dma_wait3A_148, %dma_wait3A_149] : memref<512x32xf32, #tpu.memory_space<vmem>> -> memref<128x32xf32, #tpu.memory_space<vmem>>
    %dma_wait3A_151 = arith.constant 0 : i32
    %dma_wait3A_152 = tpu.memref_slice %arg9[%dma_wait3A, %dma_wait3A_151] : memref<4x128xi32, #tpu.memory_space<vmem>> -> memref<1x128xi32, #tpu.memory_space<vmem>>
    %dma_wait3A_153 = tpu.memref_squeeze %dma_wait3A_152 : memref<1x128xi32, #tpu.memory_space<vmem>> -> memref<128xi32, #tpu.memory_space<vmem>>
    %dma_wait3A_154 = arith.constant 0 : i32
    %dma_wait3A_155 = arith.constant 0 : i32
    %dma_wait3A_156 = tpu.memref_slice %arg4[%dma_wait3A_154, %dma_wait3A_155] : memref<1000000x32xf32, #tpu.memory_space<hbm>> -> memref<1000000x32xf32, #tpu.memory_space<hbm>>
    tpu.wait_indirect_dma semaphore(%arg16 : memref<!tpu.dma_semaphore, #tpu.memory_space<semaphore_mem>>) src(%dma_wait3A_156 : memref<1000000x32xf32, #tpu.memory_space<hbm>>) dst(%dma_wait3A_150 : memref<128x32xf32, #tpu.memory_space<vmem>>)
    %dma_wait3A_157 = arith.constant 0 : i32
    %dma_wait3A_158 = arith.constant 0 : i32
    %dma_wait3A_159 = arith.constant 0 : i32
    %dma_wait3A_160 = tpu.memref_slice %arg12[%dma_wait3A_158, %dma_wait3A_159] : memref<512x32xf32, #tpu.memory_space<vmem>> -> memref<128x32xf32, #tpu.memory_space<vmem>>
    %dma_wait3A_161 = arith.constant 0 : i32
    %dma_wait3A_162 = tpu.memref_slice %arg10[%dma_wait3A_157, %dma_wait3A_161] : memref<4x128xi32, #tpu.memory_space<vmem>> -> memref<1x128xi32, #tpu.memory_space<vmem>>
    %dma_wait3A_163 = tpu.memref_squeeze %dma_wait3A_162 : memref<1x128xi32, #tpu.memory_space<vmem>> -> memref<128xi32, #tpu.memory_space<vmem>>
    %dma_wait3A_164 = arith.constant 0 : i32
    %dma_wait3A_165 = arith.constant 0 : i32
    %dma_wait3A_166 = tpu.memref_slice %arg5[%dma_wait3A_164, %dma_wait3A_165] : memref<1000000x32xf32, #tpu.memory_space<hbm>> -> memref<1000000x32xf32, #tpu.memory_space<hbm>>
    tpu.wait_indirect_dma semaphore(%arg16 : memref<!tpu.dma_semaphore, #tpu.memory_space<semaphore_mem>>) src(%dma_wait3A_166 : memref<1000000x32xf32, #tpu.memory_space<hbm>>) dst(%dma_wait3A_160 : memref<128x32xf32, #tpu.memory_space<vmem>>)
    %dma_wait3A_167 = arith.constant 0 : i32
    %dma_wait3A_168 = arith.constant 0 : i32
    %dma_wait3A_169 = tpu.memref_slice %arg13[%dma_wait3A_168] : memref<512xf32, #tpu.memory_space<vmem>> -> memref<128xf32, #tpu.memory_space<vmem>>
    %dma_wait3A_170 = arith.constant 0 : i32
    %dma_wait3A_171 = tpu.memref_slice %arg9[%dma_wait3A_167, %dma_wait3A_170] : memref<4x128xi32, #tpu.memory_space<vmem>> -> memref<1x128xi32, #tpu.memory_space<vmem>>
    %dma_wait3A_172 = tpu.memref_squeeze %dma_wait3A_171 : memref<1x128xi32, #tpu.memory_space<vmem>> -> memref<128xi32, #tpu.memory_space<vmem>>
    %dma_wait3A_173 = arith.constant 0 : i32
    %dma_wait3A_174 = tpu.memref_slice %arg6[%dma_wait3A_173] : memref<1000000xf32, #tpu.memory_space<hbm>> -> memref<1000000xf32, #tpu.memory_space<hbm>>
    tpu.wait_indirect_dma semaphore(%arg16 : memref<!tpu.dma_semaphore, #tpu.memory_space<semaphore_mem>>) src(%dma_wait3A_174 : memref<1000000xf32, #tpu.memory_space<hbm>>) dst(%dma_wait3A_169 : memref<128xf32, #tpu.memory_space<vmem>>)
    %dma_wait3A_175 = arith.constant 0 : i32
    %dma_wait3A_176 = arith.constant 0 : i32
    %dma_wait3A_177 = tpu.memref_slice %arg14[%dma_wait3A_176] : memref<512xf32, #tpu.memory_space<vmem>> -> memref<128xf32, #tpu.memory_space<vmem>>
    %dma_wait3A_178 = arith.constant 0 : i32
    %dma_wait3A_179 = tpu.memref_slice %arg10[%dma_wait3A_175, %dma_wait3A_178] : memref<4x128xi32, #tpu.memory_space<vmem>> -> memref<1x128xi32, #tpu.memory_space<vmem>>
    %dma_wait3A_180 = tpu.memref_squeeze %dma_wait3A_179 : memref<1x128xi32, #tpu.memory_space<vmem>> -> memref<128xi32, #tpu.memory_space<vmem>>
    %dma_wait3A_181 = arith.constant 0 : i32
    %dma_wait3A_182 = tpu.memref_slice %arg7[%dma_wait3A_181] : memref<1000000xf32, #tpu.memory_space<hbm>> -> memref<1000000xf32, #tpu.memory_space<hbm>>
    tpu.wait_indirect_dma semaphore(%arg16 : memref<!tpu.dma_semaphore, #tpu.memory_space<semaphore_mem>>) src(%dma_wait3A_182 : memref<1000000xf32, #tpu.memory_space<hbm>>) dst(%dma_wait3A_177 : memref<128xf32, #tpu.memory_space<vmem>>)
    %dma_wait3A_183 = arith.constant 1 : i32
    %dma_wait3A_184 = arith.constant 128 : i32
    %dma_wait3A_185 = arith.constant 0 : i32
    %dma_wait3A_186 = tpu.memref_slice %arg11[%dma_wait3A_184, %dma_wait3A_185] : memref<512x32xf32, #tpu.memory_space<vmem>> -> memref<128x32xf32, #tpu.memory_space<vmem>>
    %dma_wait3A_187 = arith.constant 0 : i32
    %dma_wait3A_188 = tpu.memref_slice %arg9[%dma_wait3A_183, %dma_wait3A_187] : memref<4x128xi32, #tpu.memory_space<vmem>> -> memref<1x128xi32, #tpu.memory_space<vmem>>
    %dma_wait3A_189 = tpu.memref_squeeze %dma_wait3A_188 : memref<1x128xi32, #tpu.memory_space<vmem>> -> memref<128xi32, #tpu.memory_space<vmem>>
    %dma_wait3A_190 = arith.constant 0 : i32
    %dma_wait3A_191 = arith.constant 0 : i32
    %dma_wait3A_192 = tpu.memref_slice %arg4[%dma_wait3A_190, %dma_wait3A_191] : memref<1000000x32xf32, #tpu.memory_space<hbm>> -> memref<1000000x32xf32, #tpu.memory_space<hbm>>
    tpu.wait_indirect_dma semaphore(%arg16 : memref<!tpu.dma_semaphore, #tpu.memory_space<semaphore_mem>>) src(%dma_wait3A_192 : memref<1000000x32xf32, #tpu.memory_space<hbm>>) dst(%dma_wait3A_186 : memref<128x32xf32, #tpu.memory_space<vmem>>)
    %dma_wait3A_193 = arith.constant 1 : i32
    %dma_wait3A_194 = arith.constant 128 : i32
    %dma_wait3A_195 = arith.constant 0 : i32
    %dma_wait3A_196 = tpu.memref_slice %arg12[%dma_wait3A_194, %dma_wait3A_195] : memref<512x32xf32, #tpu.memory_space<vmem>> -> memref<128x32xf32, #tpu.memory_space<vmem>>
    %dma_wait3A_197 = arith.constant 0 : i32
    %dma_wait3A_198 = tpu.memref_slice %arg10[%dma_wait3A_193, %dma_wait3A_197] : memref<4x128xi32, #tpu.memory_space<vmem>> -> memref<1x128xi32, #tpu.memory_space<vmem>>
    %dma_wait3A_199 = tpu.memref_squeeze %dma_wait3A_198 : memref<1x128xi32, #tpu.memory_space<vmem>> -> memref<128xi32, #tpu.memory_space<vmem>>
    %dma_wait3A_200 = arith.constant 0 : i32
    %dma_wait3A_201 = arith.constant 0 : i32
    %dma_wait3A_202 = tpu.memref_slice %arg5[%dma_wait3A_200, %dma_wait3A_201] : memref<1000000x32xf32, #tpu.memory_space<hbm>> -> memref<1000000x32xf32, #tpu.memory_space<hbm>>
    tpu.wait_indirect_dma semaphore(%arg16 : memref<!tpu.dma_semaphore, #tpu.memory_space<semaphore_mem>>) src(%dma_wait3A_202 : memref<1000000x32xf32, #tpu.memory_space<hbm>>) dst(%dma_wait3A_196 : memref<128x32xf32, #tpu.memory_space<vmem>>)
    %dma_wait3A_203 = arith.constant 1 : i32
    %dma_wait3A_204 = arith.constant 128 : i32
    %dma_wait3A_205 = tpu.memref_slice %arg13[%dma_wait3A_204] : memref<512xf32, #tpu.memory_space<vmem>> -> memref<128xf32, #tpu.memory_space<vmem>>
    %dma_wait3A_206 = arith.constant 0 : i32
    %dma_wait3A_207 = tpu.memref_slice %arg9[%dma_wait3A_203, %dma_wait3A_206] : memref<4x128xi32, #tpu.memory_space<vmem>> -> memref<1x128xi32, #tpu.memory_space<vmem>>
    %dma_wait3A_208 = tpu.memref_squeeze %dma_wait3A_207 : memref<1x128xi32, #tpu.memory_space<vmem>> -> memref<128xi32, #tpu.memory_space<vmem>>
    %dma_wait3A_209 = arith.constant 0 : i32
    %dma_wait3A_210 = tpu.memref_slice %arg6[%dma_wait3A_209] : memref<1000000xf32, #tpu.memory_space<hbm>> -> memref<1000000xf32, #tpu.memory_space<hbm>>
    tpu.wait_indirect_dma semaphore(%arg16 : memref<!tpu.dma_semaphore, #tpu.memory_space<semaphore_mem>>) src(%dma_wait3A_210 : memref<1000000xf32, #tpu.memory_space<hbm>>) dst(%dma_wait3A_205 : memref<128xf32, #tpu.memory_space<vmem>>)
    %dma_wait3A_211 = arith.constant 1 : i32
    %dma_wait3A_212 = arith.constant 128 : i32
    %dma_wait3A_213 = tpu.memref_slice %arg14[%dma_wait3A_212] : memref<512xf32, #tpu.memory_space<vmem>> -> memref<128xf32, #tpu.memory_space<vmem>>
    %dma_wait3A_214 = arith.constant 0 : i32
    %dma_wait3A_215 = tpu.memref_slice %arg10[%dma_wait3A_211, %dma_wait3A_214] : memref<4x128xi32, #tpu.memory_space<vmem>> -> memref<1x128xi32, #tpu.memory_space<vmem>>
    %dma_wait3A_216 = tpu.memref_squeeze %dma_wait3A_215 : memref<1x128xi32, #tpu.memory_space<vmem>> -> memref<128xi32, #tpu.memory_space<vmem>>
    %dma_wait3A_217 = arith.constant 0 : i32
    %dma_wait3A_218 = tpu.memref_slice %arg7[%dma_wait3A_217] : memref<1000000xf32, #tpu.memory_space<hbm>> -> memref<1000000xf32, #tpu.memory_space<hbm>>
    tpu.wait_indirect_dma semaphore(%arg16 : memref<!tpu.dma_semaphore, #tpu.memory_space<semaphore_mem>>) src(%dma_wait3A_218 : memref<1000000xf32, #tpu.memory_space<hbm>>) dst(%dma_wait3A_213 : memref<128xf32, #tpu.memory_space<vmem>>)
    %dma_wait3A_219 = arith.constant 2 : i32
    %dma_wait3A_220 = arith.constant 256 : i32
    %dma_wait3A_221 = arith.constant 0 : i32
    %dma_wait3A_222 = tpu.memref_slice %arg11[%dma_wait3A_220, %dma_wait3A_221] : memref<512x32xf32, #tpu.memory_space<vmem>> -> memref<128x32xf32, #tpu.memory_space<vmem>>
    %dma_wait3A_223 = arith.constant 0 : i32
    %dma_wait3A_224 = tpu.memref_slice %arg9[%dma_wait3A_219, %dma_wait3A_223] : memref<4x128xi32, #tpu.memory_space<vmem>> -> memref<1x128xi32, #tpu.memory_space<vmem>>
    %dma_wait3A_225 = tpu.memref_squeeze %dma_wait3A_224 : memref<1x128xi32, #tpu.memory_space<vmem>> -> memref<128xi32, #tpu.memory_space<vmem>>
    %dma_wait3A_226 = arith.constant 0 : i32
    %dma_wait3A_227 = arith.constant 0 : i32
    %dma_wait3A_228 = tpu.memref_slice %arg4[%dma_wait3A_226, %dma_wait3A_227] : memref<1000000x32xf32, #tpu.memory_space<hbm>> -> memref<1000000x32xf32, #tpu.memory_space<hbm>>
    tpu.wait_indirect_dma semaphore(%arg16 : memref<!tpu.dma_semaphore, #tpu.memory_space<semaphore_mem>>) src(%dma_wait3A_228 : memref<1000000x32xf32, #tpu.memory_space<hbm>>) dst(%dma_wait3A_222 : memref<128x32xf32, #tpu.memory_space<vmem>>)
    %dma_wait3A_229 = arith.constant 2 : i32
    %dma_wait3A_230 = arith.constant 256 : i32
    %dma_wait3A_231 = arith.constant 0 : i32
    %dma_wait3A_232 = tpu.memref_slice %arg12[%dma_wait3A_230, %dma_wait3A_231] : memref<512x32xf32, #tpu.memory_space<vmem>> -> memref<128x32xf32, #tpu.memory_space<vmem>>
    %dma_wait3A_233 = arith.constant 0 : i32
    %dma_wait3A_234 = tpu.memref_slice %arg10[%dma_wait3A_229, %dma_wait3A_233] : memref<4x128xi32, #tpu.memory_space<vmem>> -> memref<1x128xi32, #tpu.memory_space<vmem>>
    %dma_wait3A_235 = tpu.memref_squeeze %dma_wait3A_234 : memref<1x128xi32, #tpu.memory_space<vmem>> -> memref<128xi32, #tpu.memory_space<vmem>>
    %dma_wait3A_236 = arith.constant 0 : i32
    %dma_wait3A_237 = arith.constant 0 : i32
    %dma_wait3A_238 = tpu.memref_slice %arg5[%dma_wait3A_236, %dma_wait3A_237] : memref<1000000x32xf32, #tpu.memory_space<hbm>> -> memref<1000000x32xf32, #tpu.memory_space<hbm>>
    tpu.wait_indirect_dma semaphore(%arg16 : memref<!tpu.dma_semaphore, #tpu.memory_space<semaphore_mem>>) src(%dma_wait3A_238 : memref<1000000x32xf32, #tpu.memory_space<hbm>>) dst(%dma_wait3A_232 : memref<128x32xf32, #tpu.memory_space<vmem>>)
    %dma_wait3A_239 = arith.constant 2 : i32
    %dma_wait3A_240 = arith.constant 256 : i32
    %dma_wait3A_241 = tpu.memref_slice %arg13[%dma_wait3A_240] : memref<512xf32, #tpu.memory_space<vmem>> -> memref<128xf32, #tpu.memory_space<vmem>>
    %dma_wait3A_242 = arith.constant 0 : i32
    %dma_wait3A_243 = tpu.memref_slice %arg9[%dma_wait3A_239, %dma_wait3A_242] : memref<4x128xi32, #tpu.memory_space<vmem>> -> memref<1x128xi32, #tpu.memory_space<vmem>>
    %dma_wait3A_244 = tpu.memref_squeeze %dma_wait3A_243 : memref<1x128xi32, #tpu.memory_space<vmem>> -> memref<128xi32, #tpu.memory_space<vmem>>
    %dma_wait3A_245 = arith.constant 0 : i32
    %dma_wait3A_246 = tpu.memref_slice %arg6[%dma_wait3A_245] : memref<1000000xf32, #tpu.memory_space<hbm>> -> memref<1000000xf32, #tpu.memory_space<hbm>>
    tpu.wait_indirect_dma semaphore(%arg16 : memref<!tpu.dma_semaphore, #tpu.memory_space<semaphore_mem>>) src(%dma_wait3A_246 : memref<1000000xf32, #tpu.memory_space<hbm>>) dst(%dma_wait3A_241 : memref<128xf32, #tpu.memory_space<vmem>>)
    %dma_wait3A_247 = arith.constant 2 : i32
    %dma_wait3A_248 = arith.constant 256 : i32
    %dma_wait3A_249 = tpu.memref_slice %arg14[%dma_wait3A_248] : memref<512xf32, #tpu.memory_space<vmem>> -> memref<128xf32, #tpu.memory_space<vmem>>
    %dma_wait3A_250 = arith.constant 0 : i32
    %dma_wait3A_251 = tpu.memref_slice %arg10[%dma_wait3A_247, %dma_wait3A_250] : memref<4x128xi32, #tpu.memory_space<vmem>> -> memref<1x128xi32, #tpu.memory_space<vmem>>
    %dma_wait3A_252 = tpu.memref_squeeze %dma_wait3A_251 : memref<1x128xi32, #tpu.memory_space<vmem>> -> memref<128xi32, #tpu.memory_space<vmem>>
    %dma_wait3A_253 = arith.constant 0 : i32
    %dma_wait3A_254 = tpu.memref_slice %arg7[%dma_wait3A_253] : memref<1000000xf32, #tpu.memory_space<hbm>> -> memref<1000000xf32, #tpu.memory_space<hbm>>
    tpu.wait_indirect_dma semaphore(%arg16 : memref<!tpu.dma_semaphore, #tpu.memory_space<semaphore_mem>>) src(%dma_wait3A_254 : memref<1000000xf32, #tpu.memory_space<hbm>>) dst(%dma_wait3A_249 : memref<128xf32, #tpu.memory_space<vmem>>)
    %dma_wait3A_255 = arith.constant 3 : i32
    %dma_wait3A_256 = arith.constant 384 : i32
    %dma_wait3A_257 = arith.constant 0 : i32
    %dma_wait3A_258 = tpu.memref_slice %arg11[%dma_wait3A_256, %dma_wait3A_257] : memref<512x32xf32, #tpu.memory_space<vmem>> -> memref<128x32xf32, #tpu.memory_space<vmem>>
    %dma_wait3A_259 = arith.constant 0 : i32
    %dma_wait3A_260 = tpu.memref_slice %arg9[%dma_wait3A_255, %dma_wait3A_259] : memref<4x128xi32, #tpu.memory_space<vmem>> -> memref<1x128xi32, #tpu.memory_space<vmem>>
    %dma_wait3A_261 = tpu.memref_squeeze %dma_wait3A_260 : memref<1x128xi32, #tpu.memory_space<vmem>> -> memref<128xi32, #tpu.memory_space<vmem>>
    %dma_wait3A_262 = arith.constant 0 : i32
    %dma_wait3A_263 = arith.constant 0 : i32
    %dma_wait3A_264 = tpu.memref_slice %arg4[%dma_wait3A_262, %dma_wait3A_263] : memref<1000000x32xf32, #tpu.memory_space<hbm>> -> memref<1000000x32xf32, #tpu.memory_space<hbm>>
    tpu.wait_indirect_dma semaphore(%arg16 : memref<!tpu.dma_semaphore, #tpu.memory_space<semaphore_mem>>) src(%dma_wait3A_264 : memref<1000000x32xf32, #tpu.memory_space<hbm>>) dst(%dma_wait3A_258 : memref<128x32xf32, #tpu.memory_space<vmem>>)
    %dma_wait3A_265 = arith.constant 3 : i32
    %dma_wait3A_266 = arith.constant 384 : i32
    %dma_wait3A_267 = arith.constant 0 : i32
    %dma_wait3A_268 = tpu.memref_slice %arg12[%dma_wait3A_266, %dma_wait3A_267] : memref<512x32xf32, #tpu.memory_space<vmem>> -> memref<128x32xf32, #tpu.memory_space<vmem>>
    %dma_wait3A_269 = arith.constant 0 : i32
    %dma_wait3A_270 = tpu.memref_slice %arg10[%dma_wait3A_265, %dma_wait3A_269] : memref<4x128xi32, #tpu.memory_space<vmem>> -> memref<1x128xi32, #tpu.memory_space<vmem>>
    %dma_wait3A_271 = tpu.memref_squeeze %dma_wait3A_270 : memref<1x128xi32, #tpu.memory_space<vmem>> -> memref<128xi32, #tpu.memory_space<vmem>>
    %dma_wait3A_272 = arith.constant 0 : i32
    %dma_wait3A_273 = arith.constant 0 : i32
    %dma_wait3A_274 = tpu.memref_slice %arg5[%dma_wait3A_272, %dma_wait3A_273] : memref<1000000x32xf32, #tpu.memory_space<hbm>> -> memref<1000000x32xf32, #tpu.memory_space<hbm>>
    tpu.wait_indirect_dma semaphore(%arg16 : memref<!tpu.dma_semaphore, #tpu.memory_space<semaphore_mem>>) src(%dma_wait3A_274 : memref<1000000x32xf32, #tpu.memory_space<hbm>>) dst(%dma_wait3A_268 : memref<128x32xf32, #tpu.memory_space<vmem>>)
    %dma_wait3A_275 = arith.constant 3 : i32
    %dma_wait3A_276 = arith.constant 384 : i32
    %dma_wait3A_277 = tpu.memref_slice %arg13[%dma_wait3A_276] : memref<512xf32, #tpu.memory_space<vmem>> -> memref<128xf32, #tpu.memory_space<vmem>>
    %dma_wait3A_278 = arith.constant 0 : i32
    %dma_wait3A_279 = tpu.memref_slice %arg9[%dma_wait3A_275, %dma_wait3A_278] : memref<4x128xi32, #tpu.memory_space<vmem>> -> memref<1x128xi32, #tpu.memory_space<vmem>>
    %dma_wait3A_280 = tpu.memref_squeeze %dma_wait3A_279 : memref<1x128xi32, #tpu.memory_space<vmem>> -> memref<128xi32, #tpu.memory_space<vmem>>
    %dma_wait3A_281 = arith.constant 0 : i32
    %dma_wait3A_282 = tpu.memref_slice %arg6[%dma_wait3A_281] : memref<1000000xf32, #tpu.memory_space<hbm>> -> memref<1000000xf32, #tpu.memory_space<hbm>>
    tpu.wait_indirect_dma semaphore(%arg16 : memref<!tpu.dma_semaphore, #tpu.memory_space<semaphore_mem>>) src(%dma_wait3A_282 : memref<1000000xf32, #tpu.memory_space<hbm>>) dst(%dma_wait3A_277 : memref<128xf32, #tpu.memory_space<vmem>>)
    %dma_wait3A_283 = arith.constant 3 : i32
    %dma_wait3A_284 = arith.constant 384 : i32
    %dma_wait3A_285 = tpu.memref_slice %arg14[%dma_wait3A_284] : memref<512xf32, #tpu.memory_space<vmem>> -> memref<128xf32, #tpu.memory_space<vmem>>
    %dma_wait3A_286 = arith.constant 0 : i32
    %dma_wait3A_287 = tpu.memref_slice %arg10[%dma_wait3A_283, %dma_wait3A_286] : memref<4x128xi32, #tpu.memory_space<vmem>> -> memref<1x128xi32, #tpu.memory_space<vmem>>
    %dma_wait3A_288 = tpu.memref_squeeze %dma_wait3A_287 : memref<1x128xi32, #tpu.memory_space<vmem>> -> memref<128xi32, #tpu.memory_space<vmem>>
    %dma_wait3A_289 = arith.constant 0 : i32
    %dma_wait3A_290 = tpu.memref_slice %arg7[%dma_wait3A_289] : memref<1000000xf32, #tpu.memory_space<hbm>> -> memref<1000000xf32, #tpu.memory_space<hbm>>
    tpu.wait_indirect_dma semaphore(%arg16 : memref<!tpu.dma_semaphore, #tpu.memory_space<semaphore_mem>>) src(%dma_wait3A_290 : memref<1000000xf32, #tpu.memory_space<hbm>>) dst(%dma_wait3A_285 : memref<128xf32, #tpu.memory_space<vmem>>)
    %scan3A = arith.constant 0 : i32
    %scan3A_291 = arith.constant 32 : i32
    %scan3A_292 = arith.addi %scan3A, %scan3A_291 : i32
    %scan3A_293 = arith.constant 1 : i32
    scf.for %scan3A_297 = %scan3A to %scan3A_292 step %scan3A_293  : i32 {
      %mul3A_298 = arith.constant 16 : i32
      %mul3A_299 = arith.muli %scan3A_297, %mul3A_298 : i32
      %iota3A = tpu.iota {dimensions = array<i32: 0>} : vector<16xi32>
      %add3A_300 = vector.broadcast %mul3A_299 : i32 to vector<16xi32>
      %add3A_301 = arith.addi %add3A_300, %iota3A : vector<16xi32>
      %mul3A_302 = arith.constant 16 : i32
      %mul3A_303 = arith.muli %scan3A_297, %mul3A_302 : i32
      %get3A = arith.index_cast %mul3A_303 : i32 to index
      %get3A_304 = tpu.vector_load %arg13[%get3A] {strides = array<i32>} : memref<512xf32, #tpu.memory_space<vmem>>, vector<16xf32>,
      %mul3A_305 = arith.constant 16 : i32
      %mul3A_306 = arith.muli %scan3A_297, %mul3A_305 : i32
      %get3A_307 = arith.index_cast %mul3A_306 : i32 to index
      %get3A_308 = tpu.vector_load %arg14[%get3A_307] {strides = array<i32>} : memref<512xf32, #tpu.memory_space<vmem>>, vector<16xf32>,
      %add3A_309 = arith.addf %get3A_304, %get3A_308 : vector<16xf32>
      %broadcast_in_dim3A = arith.constant 0 : i32
      %broadcast_in_dim3A_310 = vector.broadcast %broadcast_in_dim3A : i32 to vector<16xi32>
      %gather3A = tpu.vector_load_idx %arg11[%add3A_301, %broadcast_in_dim3A_310] : memref<512x32xf32, #tpu.memory_space<vmem>>[vector<16xi32>, vector<16xi32>], vector<16xf32>,
      %gather3A_311 = tpu.vector_load_idx %arg12[%add3A_301, %broadcast_in_dim3A_310] : memref<512x32xf32, #tpu.memory_space<vmem>>[vector<16xi32>, vector<16xi32>], vector<16xf32>,
      %mul3A_312 = arith.mulf %gather3A, %gather3A_311 : vector<16xf32>
      %add3A_313 = arith.addf %add3A_309, %mul3A_312 : vector<16xf32>
      %broadcast_in_dim3A_314 = arith.constant 1 : i32
      %broadcast_in_dim3A_315 = vector.broadcast %broadcast_in_dim3A_314 : i32 to vector<16xi32>
      %gather3A_316 = tpu.vector_load_idx %arg11[%add3A_301, %broadcast_in_dim3A_315] : memref<512x32xf32, #tpu.memory_space<vmem>>[vector<16xi32>, vector<16xi32>], vector<16xf32>,
      %gather3A_317 = tpu.vector_load_idx %arg12[%add3A_301, %broadcast_in_dim3A_315] : memref<512x32xf32, #tpu.memory_space<vmem>>[vector<16xi32>, vector<16xi32>], vector<16xf32>,
      %mul3A_318 = arith.mulf %gather3A_316, %gather3A_317 : vector<16xf32>
      %add3A_319 = arith.addf %add3A_313, %mul3A_318 : vector<16xf32>
      %broadcast_in_dim3A_320 = arith.constant 2 : i32
      %broadcast_in_dim3A_321 = vector.broadcast %broadcast_in_dim3A_320 : i32 to vector<16xi32>
      %gather3A_322 = tpu.vector_load_idx %arg11[%add3A_301, %broadcast_in_dim3A_321] : memref<512x32xf32, #tpu.memory_space<vmem>>[vector<16xi32>, vector<16xi32>], vector<16xf32>,
      %gather3A_323 = tpu.vector_load_idx %arg12[%add3A_301, %broadcast_in_dim3A_321] : memref<512x32xf32, #tpu.memory_space<vmem>>[vector<16xi32>, vector<16xi32>], vector<16xf32>,
      %mul3A_324 = arith.mulf %gather3A_322, %gather3A_323 : vector<16xf32>
      %add3A_325 = arith.addf %add3A_319, %mul3A_324 : vector<16xf32>
      %broadcast_in_dim3A_326 = arith.constant 3 : i32
      %broadcast_in_dim3A_327 = vector.broadcast %broadcast_in_dim3A_326 : i32 to vector<16xi32>
      %gather3A_328 = tpu.vector_load_idx %arg11[%add3A_301, %broadcast_in_dim3A_327] : memref<512x32xf32, #tpu.memory_space<vmem>>[vector<16xi32>, vector<16xi32>], vector<16xf32>,
      %gather3A_329 = tpu.vector_load_idx %arg12[%add3A_301, %broadcast_in_dim3A_327] : memref<512x32xf32, #tpu.memory_space<vmem>>[vector<16xi32>, vector<16xi32>], vector<16xf32>,
      %mul3A_330 = arith.mulf %gather3A_328, %gather3A_329 : vector<16xf32>
      %add3A_331 = arith.addf %add3A_325, %mul3A_330 : vector<16xf32>
      %broadcast_in_dim3A_332 = arith.constant 4 : i32
      %broadcast_in_dim3A_333 = vector.broadcast %broadcast_in_dim3A_332 : i32 to vector<16xi32>
      %gather3A_334 = tpu.vector_load_idx %arg11[%add3A_301, %broadcast_in_dim3A_333] : memref<512x32xf32, #tpu.memory_space<vmem>>[vector<16xi32>, vector<16xi32>], vector<16xf32>,
      %gather3A_335 = tpu.vector_load_idx %arg12[%add3A_301, %broadcast_in_dim3A_333] : memref<512x32xf32, #tpu.memory_space<vmem>>[vector<16xi32>, vector<16xi32>], vector<16xf32>,
      %mul3A_336 = arith.mulf %gather3A_334, %gather3A_335 : vector<16xf32>
      %add3A_337 = arith.addf %add3A_331, %mul3A_336 : vector<16xf32>
      %broadcast_in_dim3A_338 = arith.constant 5 : i32
      %broadcast_in_dim3A_339 = vector.broadcast %broadcast_in_dim3A_338 : i32 to vector<16xi32>
      %gather3A_340 = tpu.vector_load_idx %arg11[%add3A_301, %broadcast_in_dim3A_339] : memref<512x32xf32, #tpu.memory_space<vmem>>[vector<16xi32>, vector<16xi32>], vector<16xf32>,
      %gather3A_341 = tpu.vector_load_idx %arg12[%add3A_301, %broadcast_in_dim3A_339] : memref<512x32xf32, #tpu.memory_space<vmem>>[vector<16xi32>, vector<16xi32>], vector<16xf32>,
      %mul3A_342 = arith.mulf %gather3A_340, %gather3A_341 : vector<16xf32>
      %add3A_343 = arith.addf %add3A_337, %mul3A_342 : vector<16xf32>
      %broadcast_in_dim3A_344 = arith.constant 6 : i32
      %broadcast_in_dim3A_345 = vector.broadcast %broadcast_in_dim3A_344 : i32 to vector<16xi32>
      %gather3A_346 = tpu.vector_load_idx %arg11[%add3A_301, %broadcast_in_dim3A_345] : memref<512x32xf32, #tpu.memory_space<vmem>>[vector<16xi32>, vector<16xi32>], vector<16xf32>,
      %gather3A_347 = tpu.vector_load_idx %arg12[%add3A_301, %broadcast_in_dim3A_345] : memref<512x32xf32, #tpu.memory_space<vmem>>[vector<16xi32>, vector<16xi32>], vector<16xf32>,
      %mul3A_348 = arith.mulf %gather3A_346, %gather3A_347 : vector<16xf32>
      %add3A_349 = arith.addf %add3A_343, %mul3A_348 : vector<16xf32>
      %broadcast_in_dim3A_350 = arith.constant 7 : i32
      %broadcast_in_dim3A_351 = vector.broadcast %broadcast_in_dim3A_350 : i32 to vector<16xi32>
      %gather3A_352 = tpu.vector_load_idx %arg11[%add3A_301, %broadcast_in_dim3A_351] : memref<512x32xf32, #tpu.memory_space<vmem>>[vector<16xi32>, vector<16xi32>], vector<16xf32>,
      %gather3A_353 = tpu.vector_load_idx %arg12[%add3A_301, %broadcast_in_dim3A_351] : memref<512x32xf32, #tpu.memory_space<vmem>>[vector<16xi32>, vector<16xi32>], vector<16xf32>,
      %mul3A_354 = arith.mulf %gather3A_352, %gather3A_353 : vector<16xf32>
      %add3A_355 = arith.addf %add3A_349, %mul3A_354 : vector<16xf32>
      %broadcast_in_dim3A_356 = arith.constant 8 : i32
      %broadcast_in_dim3A_357 = vector.broadcast %broadcast_in_dim3A_356 : i32 to vector<16xi32>
      %gather3A_358 = tpu.vector_load_idx %arg11[%add3A_301, %broadcast_in_dim3A_357] : memref<512x32xf32, #tpu.memory_space<vmem>>[vector<16xi32>, vector<16xi32>], vector<16xf32>,
      %gather3A_359 = tpu.vector_load_idx %arg12[%add3A_301, %broadcast_in_dim3A_357] : memref<512x32xf32, #tpu.memory_space<vmem>>[vector<16xi32>, vector<16xi32>], vector<16xf32>,
      %mul3A_360 = arith.mulf %gather3A_358, %gather3A_359 : vector<16xf32>
      %add3A_361 = arith.addf %add3A_355, %mul3A_360 : vector<16xf32>
      %broadcast_in_dim3A_362 = arith.constant 9 : i32
      %broadcast_in_dim3A_363 = vector.broadcast %broadcast_in_dim3A_362 : i32 to vector<16xi32>
      %gather3A_364 = tpu.vector_load_idx %arg11[%add3A_301, %broadcast_in_dim3A_363] : memref<512x32xf32, #tpu.memory_space<vmem>>[vector<16xi32>, vector<16xi32>], vector<16xf32>,
      %gather3A_365 = tpu.vector_load_idx %arg12[%add3A_301, %broadcast_in_dim3A_363] : memref<512x32xf32, #tpu.memory_space<vmem>>[vector<16xi32>, vector<16xi32>], vector<16xf32>,
      %mul3A_366 = arith.mulf %gather3A_364, %gather3A_365 : vector<16xf32>
      %add3A_367 = arith.addf %add3A_361, %mul3A_366 : vector<16xf32>
      %broadcast_in_dim3A_368 = arith.constant 10 : i32
      %broadcast_in_dim3A_369 = vector.broadcast %broadcast_in_dim3A_368 : i32 to vector<16xi32>
      %gather3A_370 = tpu.vector_load_idx %arg11[%add3A_301, %broadcast_in_dim3A_369] : memref<512x32xf32, #tpu.memory_space<vmem>>[vector<16xi32>, vector<16xi32>], vector<16xf32>,
      %gather3A_371 = tpu.vector_load_idx %arg12[%add3A_301, %broadcast_in_dim3A_369] : memref<512x32xf32, #tpu.memory_space<vmem>>[vector<16xi32>, vector<16xi32>], vector<16xf32>,
      %mul3A_372 = arith.mulf %gather3A_370, %gather3A_371 : vector<16xf32>
      %add3A_373 = arith.addf %add3A_367, %mul3A_372 : vector<16xf32>
      %broadcast_in_dim3A_374 = arith.constant 11 : i32
      %broadcast_in_dim3A_375 = vector.broadcast %broadcast_in_dim3A_374 : i32 to vector<16xi32>
      %gather3A_376 = tpu.vector_load_idx %arg11[%add3A_301, %broadcast_in_dim3A_375] : memref<512x32xf32, #tpu.memory_space<vmem>>[vector<16xi32>, vector<16xi32>], vector<16xf32>,
      %gather3A_377 = tpu.vector_load_idx %arg12[%add3A_301, %broadcast_in_dim3A_375] : memref<512x32xf32, #tpu.memory_space<vmem>>[vector<16xi32>, vector<16xi32>], vector<16xf32>,
      %mul3A_378 = arith.mulf %gather3A_376, %gather3A_377 : vector<16xf32>
      %add3A_379 = arith.addf %add3A_373, %mul3A_378 : vector<16xf32>
      %broadcast_in_dim3A_380 = arith.constant 12 : i32
      %broadcast_in_dim3A_381 = vector.broadcast %broadcast_in_dim3A_380 : i32 to vector<16xi32>
      %gather3A_382 = tpu.vector_load_idx %arg11[%add3A_301, %broadcast_in_dim3A_381] : memref<512x32xf32, #tpu.memory_space<vmem>>[vector<16xi32>, vector<16xi32>], vector<16xf32>,
      %gather3A_383 = tpu.vector_load_idx %arg12[%add3A_301, %broadcast_in_dim3A_381] : memref<512x32xf32, #tpu.memory_space<vmem>>[vector<16xi32>, vector<16xi32>], vector<16xf32>,
      %mul3A_384 = arith.mulf %gather3A_382, %gather3A_383 : vector<16xf32>
      %add3A_385 = arith.addf %add3A_379, %mul3A_384 : vector<16xf32>
      %broadcast_in_dim3A_386 = arith.constant 13 : i32
      %broadcast_in_dim3A_387 = vector.broadcast %broadcast_in_dim3A_386 : i32 to vector<16xi32>
      %gather3A_388 = tpu.vector_load_idx %arg11[%add3A_301, %broadcast_in_dim3A_387] : memref<512x32xf32, #tpu.memory_space<vmem>>[vector<16xi32>, vector<16xi32>], vector<16xf32>,
      %gather3A_389 = tpu.vector_load_idx %arg12[%add3A_301, %broadcast_in_dim3A_387] : memref<512x32xf32, #tpu.memory_space<vmem>>[vector<16xi32>, vector<16xi32>], vector<16xf32>,
      %mul3A_390 = arith.mulf %gather3A_388, %gather3A_389 : vector<16xf32>
      %add3A_391 = arith.addf %add3A_385, %mul3A_390 : vector<16xf32>
      %broadcast_in_dim3A_392 = arith.constant 14 : i32
      %broadcast_in_dim3A_393 = vector.broadcast %broadcast_in_dim3A_392 : i32 to vector<16xi32>
      %gather3A_394 = tpu.vector_load_idx %arg11[%add3A_301, %broadcast_in_dim3A_393] : memref<512x32xf32, #tpu.memory_space<vmem>>[vector<16xi32>, vector<16xi32>], vector<16xf32>,
      %gather3A_395 = tpu.vector_load_idx %arg12[%add3A_301, %broadcast_in_dim3A_393] : memref<512x32xf32, #tpu.memory_space<vmem>>[vector<16xi32>, vector<16xi32>], vector<16xf32>,
      %mul3A_396 = arith.mulf %gather3A_394, %gather3A_395 : vector<16xf32>
      %add3A_397 = arith.addf %add3A_391, %mul3A_396 : vector<16xf32>
      %broadcast_in_dim3A_398 = arith.constant 15 : i32
      %broadcast_in_dim3A_399 = vector.broadcast %broadcast_in_dim3A_398 : i32 to vector<16xi32>
      %gather3A_400 = tpu.vector_load_idx %arg11[%add3A_301, %broadcast_in_dim3A_399] : memref<512x32xf32, #tpu.memory_space<vmem>>[vector<16xi32>, vector<16xi32>], vector<16xf32>,
      %gather3A_401 = tpu.vector_load_idx %arg12[%add3A_301, %broadcast_in_dim3A_399] : memref<512x32xf32, #tpu.memory_space<vmem>>[vector<16xi32>, vector<16xi32>], vector<16xf32>,
      %mul3A_402 = arith.mulf %gather3A_400, %gather3A_401 : vector<16xf32>
      %add3A_403 = arith.addf %add3A_397, %mul3A_402 : vector<16xf32>
      %broadcast_in_dim3A_404 = arith.constant 16 : i32
      %broadcast_in_dim3A_405 = vector.broadcast %broadcast_in_dim3A_404 : i32 to vector<16xi32>
      %gather3A_406 = tpu.vector_load_idx %arg11[%add3A_301, %broadcast_in_dim3A_405] : memref<512x32xf32, #tpu.memory_space<vmem>>[vector<16xi32>, vector<16xi32>], vector<16xf32>,
      %gather3A_407 = tpu.vector_load_idx %arg12[%add3A_301, %broadcast_in_dim3A_405] : memref<512x32xf32, #tpu.memory_space<vmem>>[vector<16xi32>, vector<16xi32>], vector<16xf32>,
      %mul3A_408 = arith.mulf %gather3A_406, %gather3A_407 : vector<16xf32>
      %add3A_409 = arith.addf %add3A_403, %mul3A_408 : vector<16xf32>
      %broadcast_in_dim3A_410 = arith.constant 17 : i32
      %broadcast_in_dim3A_411 = vector.broadcast %broadcast_in_dim3A_410 : i32 to vector<16xi32>
      %gather3A_412 = tpu.vector_load_idx %arg11[%add3A_301, %broadcast_in_dim3A_411] : memref<512x32xf32, #tpu.memory_space<vmem>>[vector<16xi32>, vector<16xi32>], vector<16xf32>,
      %gather3A_413 = tpu.vector_load_idx %arg12[%add3A_301, %broadcast_in_dim3A_411] : memref<512x32xf32, #tpu.memory_space<vmem>>[vector<16xi32>, vector<16xi32>], vector<16xf32>,
      %mul3A_414 = arith.mulf %gather3A_412, %gather3A_413 : vector<16xf32>
      %add3A_415 = arith.addf %add3A_409, %mul3A_414 : vector<16xf32>
      %broadcast_in_dim3A_416 = arith.constant 18 : i32
      %broadcast_in_dim3A_417 = vector.broadcast %broadcast_in_dim3A_416 : i32 to vector<16xi32>
      %gather3A_418 = tpu.vector_load_idx %arg11[%add3A_301, %broadcast_in_dim3A_417] : memref<512x32xf32, #tpu.memory_space<vmem>>[vector<16xi32>, vector<16xi32>], vector<16xf32>,
      %gather3A_419 = tpu.vector_load_idx %arg12[%add3A_301, %broadcast_in_dim3A_417] : memref<512x32xf32, #tpu.memory_space<vmem>>[vector<16xi32>, vector<16xi32>], vector<16xf32>,
      %mul3A_420 = arith.mulf %gather3A_418, %gather3A_419 : vector<16xf32>
      %add3A_421 = arith.addf %add3A_415, %mul3A_420 : vector<16xf32>
      %broadcast_in_dim3A_422 = arith.constant 19 : i32
      %broadcast_in_dim3A_423 = vector.broadcast %broadcast_in_dim3A_422 : i32 to vector<16xi32>
      %gather3A_424 = tpu.vector_load_idx %arg11[%add3A_301, %broadcast_in_dim3A_423] : memref<512x32xf32, #tpu.memory_space<vmem>>[vector<16xi32>, vector<16xi32>], vector<16xf32>,
      %gather3A_425 = tpu.vector_load_idx %arg12[%add3A_301, %broadcast_in_dim3A_423] : memref<512x32xf32, #tpu.memory_space<vmem>>[vector<16xi32>, vector<16xi32>], vector<16xf32>,
      %mul3A_426 = arith.mulf %gather3A_424, %gather3A_425 : vector<16xf32>
      %add3A_427 = arith.addf %add3A_421, %mul3A_426 : vector<16xf32>
      %broadcast_in_dim3A_428 = arith.constant 20 : i32
      %broadcast_in_dim3A_429 = vector.broadcast %broadcast_in_dim3A_428 : i32 to vector<16xi32>
      %gather3A_430 = tpu.vector_load_idx %arg11[%add3A_301, %broadcast_in_dim3A_429] : memref<512x32xf32, #tpu.memory_space<vmem>>[vector<16xi32>, vector<16xi32>], vector<16xf32>,
      %gather3A_431 = tpu.vector_load_idx %arg12[%add3A_301, %broadcast_in_dim3A_429] : memref<512x32xf32, #tpu.memory_space<vmem>>[vector<16xi32>, vector<16xi32>], vector<16xf32>,
      %mul3A_432 = arith.mulf %gather3A_430, %gather3A_431 : vector<16xf32>
      %add3A_433 = arith.addf %add3A_427, %mul3A_432 : vector<16xf32>
      %broadcast_in_dim3A_434 = arith.constant 21 : i32
      %broadcast_in_dim3A_435 = vector.broadcast %broadcast_in_dim3A_434 : i32 to vector<16xi32>
      %gather3A_436 = tpu.vector_load_idx %arg11[%add3A_301, %broadcast_in_dim3A_435] : memref<512x32xf32, #tpu.memory_space<vmem>>[vector<16xi32>, vector<16xi32>], vector<16xf32>,
      %gather3A_437 = tpu.vector_load_idx %arg12[%add3A_301, %broadcast_in_dim3A_435] : memref<512x32xf32, #tpu.memory_space<vmem>>[vector<16xi32>, vector<16xi32>], vector<16xf32>,
      %mul3A_438 = arith.mulf %gather3A_436, %gather3A_437 : vector<16xf32>
      %add3A_439 = arith.addf %add3A_433, %mul3A_438 : vector<16xf32>
      %broadcast_in_dim3A_440 = arith.constant 22 : i32
      %broadcast_in_dim3A_441 = vector.broadcast %broadcast_in_dim3A_440 : i32 to vector<16xi32>
      %gather3A_442 = tpu.vector_load_idx %arg11[%add3A_301, %broadcast_in_dim3A_441] : memref<512x32xf32, #tpu.memory_space<vmem>>[vector<16xi32>, vector<16xi32>], vector<16xf32>,
      %gather3A_443 = tpu.vector_load_idx %arg12[%add3A_301, %broadcast_in_dim3A_441] : memref<512x32xf32, #tpu.memory_space<vmem>>[vector<16xi32>, vector<16xi32>], vector<16xf32>,
      %mul3A_444 = arith.mulf %gather3A_442, %gather3A_443 : vector<16xf32>
      %add3A_445 = arith.addf %add3A_439, %mul3A_444 : vector<16xf32>
      %broadcast_in_dim3A_446 = arith.constant 23 : i32
      %broadcast_in_dim3A_447 = vector.broadcast %broadcast_in_dim3A_446 : i32 to vector<16xi32>
      %gather3A_448 = tpu.vector_load_idx %arg11[%add3A_301, %broadcast_in_dim3A_447] : memref<512x32xf32, #tpu.memory_space<vmem>>[vector<16xi32>, vector<16xi32>], vector<16xf32>,
      %gather3A_449 = tpu.vector_load_idx %arg12[%add3A_301, %broadcast_in_dim3A_447] : memref<512x32xf32, #tpu.memory_space<vmem>>[vector<16xi32>, vector<16xi32>], vector<16xf32>,
      %mul3A_450 = arith.mulf %gather3A_448, %gather3A_449 : vector<16xf32>
      %add3A_451 = arith.addf %add3A_445, %mul3A_450 : vector<16xf32>
      %broadcast_in_dim3A_452 = arith.constant 24 : i32
      %broadcast_in_dim3A_453 = vector.broadcast %broadcast_in_dim3A_452 : i32 to vector<16xi32>
      %gather3A_454 = tpu.vector_load_idx %arg11[%add3A_301, %broadcast_in_dim3A_453] : memref<512x32xf32, #tpu.memory_space<vmem>>[vector<16xi32>, vector<16xi32>], vector<16xf32>,
      %gather3A_455 = tpu.vector_load_idx %arg12[%add3A_301, %broadcast_in_dim3A_453] : memref<512x32xf32, #tpu.memory_space<vmem>>[vector<16xi32>, vector<16xi32>], vector<16xf32>,
      %mul3A_456 = arith.mulf %gather3A_454, %gather3A_455 : vector<16xf32>
      %add3A_457 = arith.addf %add3A_451, %mul3A_456 : vector<16xf32>
      %broadcast_in_dim3A_458 = arith.constant 25 : i32
      %broadcast_in_dim3A_459 = vector.broadcast %broadcast_in_dim3A_458 : i32 to vector<16xi32>
      %gather3A_460 = tpu.vector_load_idx %arg11[%add3A_301, %broadcast_in_dim3A_459] : memref<512x32xf32, #tpu.memory_space<vmem>>[vector<16xi32>, vector<16xi32>], vector<16xf32>,
      %gather3A_461 = tpu.vector_load_idx %arg12[%add3A_301, %broadcast_in_dim3A_459] : memref<512x32xf32, #tpu.memory_space<vmem>>[vector<16xi32>, vector<16xi32>], vector<16xf32>,
      %mul3A_462 = arith.mulf %gather3A_460, %gather3A_461 : vector<16xf32>
      %add3A_463 = arith.addf %add3A_457, %mul3A_462 : vector<16xf32>
      %broadcast_in_dim3A_464 = arith.constant 26 : i32
      %broadcast_in_dim3A_465 = vector.broadcast %broadcast_in_dim3A_464 : i32 to vector<16xi32>
      %gather3A_466 = tpu.vector_load_idx %arg11[%add3A_301, %broadcast_in_dim3A_465] : memref<512x32xf32, #tpu.memory_space<vmem>>[vector<16xi32>, vector<16xi32>], vector<16xf32>,
      %gather3A_467 = tpu.vector_load_idx %arg12[%add3A_301, %broadcast_in_dim3A_465] : memref<512x32xf32, #tpu.memory_space<vmem>>[vector<16xi32>, vector<16xi32>], vector<16xf32>,
      %mul3A_468 = arith.mulf %gather3A_466, %gather3A_467 : vector<16xf32>
      %add3A_469 = arith.addf %add3A_463, %mul3A_468 : vector<16xf32>
      %broadcast_in_dim3A_470 = arith.constant 27 : i32
      %broadcast_in_dim3A_471 = vector.broadcast %broadcast_in_dim3A_470 : i32 to vector<16xi32>
      %gather3A_472 = tpu.vector_load_idx %arg11[%add3A_301, %broadcast_in_dim3A_471] : memref<512x32xf32, #tpu.memory_space<vmem>>[vector<16xi32>, vector<16xi32>], vector<16xf32>,
      %gather3A_473 = tpu.vector_load_idx %arg12[%add3A_301, %broadcast_in_dim3A_471] : memref<512x32xf32, #tpu.memory_space<vmem>>[vector<16xi32>, vector<16xi32>], vector<16xf32>,
      %mul3A_474 = arith.mulf %gather3A_472, %gather3A_473 : vector<16xf32>
      %add3A_475 = arith.addf %add3A_469, %mul3A_474 : vector<16xf32>
      %broadcast_in_dim3A_476 = arith.constant 28 : i32
      %broadcast_in_dim3A_477 = vector.broadcast %broadcast_in_dim3A_476 : i32 to vector<16xi32>
      %gather3A_478 = tpu.vector_load_idx %arg11[%add3A_301, %broadcast_in_dim3A_477] : memref<512x32xf32, #tpu.memory_space<vmem>>[vector<16xi32>, vector<16xi32>], vector<16xf32>,
      %gather3A_479 = tpu.vector_load_idx %arg12[%add3A_301, %broadcast_in_dim3A_477] : memref<512x32xf32, #tpu.memory_space<vmem>>[vector<16xi32>, vector<16xi32>], vector<16xf32>,
      %mul3A_480 = arith.mulf %gather3A_478, %gather3A_479 : vector<16xf32>
      %add3A_481 = arith.addf %add3A_475, %mul3A_480 : vector<16xf32>
      %broadcast_in_dim3A_482 = arith.constant 29 : i32
      %broadcast_in_dim3A_483 = vector.broadcast %broadcast_in_dim3A_482 : i32 to vector<16xi32>
      %gather3A_484 = tpu.vector_load_idx %arg11[%add3A_301, %broadcast_in_dim3A_483] : memref<512x32xf32, #tpu.memory_space<vmem>>[vector<16xi32>, vector<16xi32>], vector<16xf32>,
      %gather3A_485 = tpu.vector_load_idx %arg12[%add3A_301, %broadcast_in_dim3A_483] : memref<512x32xf32, #tpu.memory_space<vmem>>[vector<16xi32>, vector<16xi32>], vector<16xf32>,
      %mul3A_486 = arith.mulf %gather3A_484, %gather3A_485 : vector<16xf32>
      %add3A_487 = arith.addf %add3A_481, %mul3A_486 : vector<16xf32>
      %broadcast_in_dim3A_488 = arith.constant 30 : i32
      %broadcast_in_dim3A_489 = vector.broadcast %broadcast_in_dim3A_488 : i32 to vector<16xi32>
      %gather3A_490 = tpu.vector_load_idx %arg11[%add3A_301, %broadcast_in_dim3A_489] : memref<512x32xf32, #tpu.memory_space<vmem>>[vector<16xi32>, vector<16xi32>], vector<16xf32>,
      %gather3A_491 = tpu.vector_load_idx %arg12[%add3A_301, %broadcast_in_dim3A_489] : memref<512x32xf32, #tpu.memory_space<vmem>>[vector<16xi32>, vector<16xi32>], vector<16xf32>,
      %mul3A_492 = arith.mulf %gather3A_490, %gather3A_491 : vector<16xf32>
      %add3A_493 = arith.addf %add3A_487, %mul3A_492 : vector<16xf32>
      %broadcast_in_dim3A_494 = arith.constant 31 : i32
      %broadcast_in_dim3A_495 = vector.broadcast %broadcast_in_dim3A_494 : i32 to vector<16xi32>
      %gather3A_496 = tpu.vector_load_idx %arg11[%add3A_301, %broadcast_in_dim3A_495] : memref<512x32xf32, #tpu.memory_space<vmem>>[vector<16xi32>, vector<16xi32>], vector<16xf32>,
      %gather3A_497 = tpu.vector_load_idx %arg12[%add3A_301, %broadcast_in_dim3A_495] : memref<512x32xf32, #tpu.memory_space<vmem>>[vector<16xi32>, vector<16xi32>], vector<16xf32>,
      %mul3A_498 = arith.mulf %gather3A_496, %gather3A_497 : vector<16xf32>
      %add3A_499 = arith.addf %add3A_493, %mul3A_498 : vector<16xf32>
      %mul3A_500 = arith.constant 16 : i32
      %mul3A_501 = arith.muli %scan3A_297, %mul3A_500 : i32
      %swap3A = arith.index_cast %mul3A_501 : i32 to index
      %swap3A_502 = tpu.vector_load %arg15[%swap3A] {strides = array<i32>} : memref<512xf32, #tpu.memory_space<vmem>>, vector<16xf32>,
      tpu.vector_store %arg15[%swap3A], %add3A_499 {strides = array<i32>} : memref<512xf32, #tpu.memory_space<vmem>>, vector<16xf32>,
    }
    %scan3A_294 = arith.constant 32 : i32
    %mul3A_295 = arith.constant 512 : i32
    %mul3A_296 = arith.muli %add3A, %mul3A_295 : i32
    "tpu.region"() ({
      %run_scoped3A = tpu.sem_alloc : memref<!tpu.dma_semaphore, #tpu.memory_space<semaphore_mem>>
      %dma_start3A_297 = tpu.memref_slice %arg8[%mul3A_296] : memref<16384xf32, #tpu.memory_space<hbm>> -> memref<512xf32, #tpu.memory_space<hbm>>
      %dma_start3A_298 = tpu.memref_slice %arg8[%mul3A_296] : memref<16384xf32, #tpu.memory_space<hbm>> -> memref<512xf32, #tpu.memory_space<hbm>>
      tpu.enqueue_dma source(%arg15 : memref<512xf32, #tpu.memory_space<vmem>>) target(%dma_start3A_298 : memref<512xf32, #tpu.memory_space<hbm>>) target_semaphore(%run_scoped3A : memref<!tpu.dma_semaphore, #tpu.memory_space<semaphore_mem>>)
      %dma_wait3A_299 = tpu.memref_slice %arg8[%mul3A_296] : memref<16384xf32, #tpu.memory_space<hbm>> -> memref<512xf32, #tpu.memory_space<hbm>>
      %dma_wait3A_300 = tpu.memref_slice %arg8[%mul3A_296] : memref<16384xf32, #tpu.memory_space<hbm>> -> memref<512xf32, #tpu.memory_space<hbm>>
      tpu.wait_dma2 semaphore(%run_scoped3A : memref<!tpu.dma_semaphore, #tpu.memory_space<semaphore_mem>>) src(%arg15 : memref<512xf32, #tpu.memory_space<vmem>>) dst(%dma_wait3A_300 : memref<512xf32, #tpu.memory_space<hbm>>)
      tpu.yield
    }) : () -> ()
    return
  }
}

</mosaic_0001>

<sc_bundles>
// kernel: kernel.3.cloned.1.call-start
scs
__scs_entry_jumppad:
0x0: {  	(pc) =	sbr.rel $0x88, $3  }
0x1: {  	(tag) =	ssettag $0x0;
	lr =	simm.s32 $0x1  }
0x2: {  	[smem:$0x3F9B] =	sst lr;
	_ =	strace $0xD0000000  }
0x3: {  	_ = 	snop  }
0x4: {  	_ = 	snop  }
0x5: {  	_ = 	snop  }
0x6: {  	_ = 	snop  }
0x7: {  	_ = 	snop  }
__scs_overlays_trampoline_lowered:
0x8: {  	[smem:$0x3FAA] =	sst s0  }
0x9: {  	[smem:$0x3FAB] =	sst s1  }
0xa: {  	[smem:$0x3FAC] =	sst s2  }
0xb: {  	[smem:$0x3FAD] =	sst s3  }
0xc: {  	[smem:$0x3FAE] =	sst s4  }
0xd: {  	[smem:$0x3FAF] =	sst s5  }
0xe: {  	[smem:$0x3FB0] =	sst s6  }
0xf: {  	[smem:$0x3FB1] =	sst s7  }
0x10: {  	[smem:$0x3FB2] =	sst s8  }
0x11: {  	[smem:$0x3FB3] =	sst s9;
	s0 =	simm.s32 @!p0 $0x0  }
0x12: {  	s1 =	sld [smem:$0x3F99];
	s0 =	simm.s32 @p0 $0x1  }
0x13: {  	[smem:$0x3FB4] =	sst s0;
	s0 =	simm.s32 @!p1 $0x0  }
0x14: {  	s2 =	sld [smem:$0x3F98];
	s0 =	simm.s32 @p1 $0x1  }
0x15: {  	[smem:$0x3FB5] =	sst s0;
	s0 =	simm.s32 @!p2 $0x0  }
0x16: {  	s3 =	sld [smem:$0x3FDB];
	s0 =	simm.s32 @p2 $0x1  }
0x17: {  	s4 =	simm.s32 $0x1BF5;
	[smem:$0x3FB7] =	sst s0  }
0x18: {  	s0 =	sld [smem:$0x3F9A];
	_ =	swait.ge [sflag:s4], $0x0  }
0x19: {  	s7 =	sld [smem:$0x3F9B]  }
0x1a: {  	s8 =	sadd.s32 $0xFFFFE003, lr  }
0x1b: {  	s9 =	sadd.s32 $0xFFFFFEF7, lr;
	s5 =	simm.s32 $0xFFFFFFFF;
	p2 =	slt.u32 s8, $0xFFFFF086  }
0x1c: {  	p1 =	slt.u32 s9, $0xF7A;
	s5 =	simm.s32 @!p2 $0x0  }
0x1d: {  	s5 =	simm.s32 @p1 $0x1;
	p0 =	seq.s32 s7, s2  }
0x1e: {  	s7 =	smul.u32 @!p0 $0xF7A, s2;
	p2 =	seq.s32 @!p0 s5, $0x0  }
0x1f: {  	s9 =	smul.u32 $0xF7A, s1;
	s8 =	simm.s32 @!p0 $0x1BF5;
	p2 =	por !p2, p0  }
0x20: {  	[sflag:s8] =	ssyncset.s32 @!p0 $0xFFFFF086;
	s6 =	sadd.s32 @!p0 s3, s7;
	s7 =	simm.s32 @!p0 $0x108  }
0x21: {  	s3 =	sadd.s32 s3, s9;
	s6 =	sadd.s32 @!p0 $0x88, s6;
	s7 =	simm.s32 @p2 $0x1082  }
0x22: {  	[simem:s7], [sflag:s8] =	dma.local @!p0 [hbm:s6], $0xF7A  }
0x23: {  	s9 =	sor.u32 $0xD0000000, s2;
	s6 =	simm.s32 $0x108;
	_ =	swait.ge @!p0 [sflag:s8], $0x0  }
0x24: {  	s3 =	sadd.s32 $0x88, s3;
	s6 =	simm.s32 @!p1 $0x1082;
	[sflag:s4] =	ssyncset.s32 $0xFFFFF086  }
0x25: {  	[simem:s6], [sflag:s4] =	dma.local [hbm:s3], $0xF7A  }
0x26: {  	[smem:$0x3F9B] =	sst s1;
	(tag) =	ssettag s2;
	_ =	strace s9  }
0x27: {  	s1 =	sld [smem:$0x3FAB]  }
0x28: {  	s2 =	sld [smem:$0x3FAC]  }
0x29: {  	s4 =	sld [smem:$0x3FAE]  }
0x2a: {  	p0 =	seq.s32 s5, $0x0;
	s5 =	sld [smem:$0x3FAF]  }
0x2b: {  	s6 =	sld [smem:$0x3FB0]  }
0x2c: {  	s7 =	sld [smem:$0x3FB1]  }
0x2d: {  	s3 =	simm.s32 $0x108;
	s8 =	sld [smem:$0x3FB2]  }
0x2e: {  	s3 =	simm.s32 @!p0 $0x1082;
	s9 =	sld [smem:$0x3FB3]  }
0x2f: {  	lr =	sadd.s32 s0, s3;
	s0 =	sld [smem:$0x3FAA]  }
0x30: {  	s3 =	sld [smem:$0x3FAD]  }
0x31: {  	[smem:$0x3FB6] =	sst s10  }
0x32: {  	s10 =	sld [smem:$0x3FB4];
	_ =	sdelay $0x3  }
0x33: {  	p0 =	seq.s32 s10, $0x1;
	s10 =	sld [smem:$0x3FB6];
	_ =	sdelay $0x3  }
0x34: {  	[smem:$0x3FB6] =	sst s10  }
0x35: {  	s10 =	sld [smem:$0x3FB5];
	_ =	sdelay $0x3  }
0x36: {  	p1 =	seq.s32 s10, $0x1;
	s10 =	sld [smem:$0x3FB6];
	_ =	sdelay $0x3  }
0x37: {  	[smem:$0x3FB6] =	sst s10  }
0x38: {  	s10 =	sld [smem:$0x3FB7]  }
0x39: {  	_ = 	snop;
	(pc) =	sbr.ind lr, $3  }
0x3a: {  	_ = 	snop  }
0x3b: {  	_ = 	snop  }
0x3c: {  	p2 =	seq.s32 s10, $0x1;
	s10 =	sld [smem:$0x3FB6]  }
0x3d: {  	_ =	shalt  }
0x3e: {  	_ =	shalt  }
0x3f: {  	_ =	shalt  }
0x40: {  	_ =	shalt  }
0x41: {  	_ =	shalt  }
0x42: {  	_ =	shalt  }
0x43: {  	_ =	shalt  }
0x44: {  	_ =	shalt  }
0x45: {  	_ =	shalt  }
0x46: {  	_ =	shalt  }
0x47: {  	_ =	shalt  }
0x48: {  	_ =	shalt  }
0x49: {  	_ =	shalt  }
0x4a: {  	_ =	shalt  }
0x4b: {  	_ =	shalt  }
0x4c: {  	_ =	shalt  }
0x4d: {  	_ =	shalt  }
0x4e: {  	_ =	shalt  }
0x4f: {  	_ =	shalt  }
0x50: {  	_ =	shalt  }
0x51: {  	_ =	shalt  }
0x52: {  	_ =	shalt  }
0x53: {  	_ =	shalt  }
0x54: {  	_ =	shalt  }
0x55: {  	_ =	shalt  }
0x56: {  	_ =	shalt  }
0x57: {  	_ =	shalt  }
0x58: {  	_ =	shalt  }
0x59: {  	_ =	shalt  }
0x5a: {  	_ =	shalt  }
0x5b: {  	_ =	shalt  }
0x5c: {  	_ =	shalt  }
0x5d: {  	_ =	shalt  }
0x5e: {  	_ =	shalt  }
0x5f: {  	_ =	shalt  }
0x60: {  	_ =	shalt  }
0x61: {  	_ =	shalt  }
0x62: {  	_ =	shalt  }
0x63: {  	_ =	shalt  }
0x64: {  	_ =	shalt  }
0x65: {  	_ =	shalt  }
0x66: {  	_ =	shalt  }
0x67: {  	_ =	shalt  }
0x68: {  	_ =	shalt  }
0x69: {  	_ =	shalt  }
0x6a: {  	_ =	shalt  }
0x6b: {  	_ =	shalt  }
0x6c: {  	_ =	shalt  }
0x6d: {  	_ =	shalt  }
0x6e: {  	_ =	shalt  }
0x6f: {  	_ =	shalt  }
0x70: {  	_ =	shalt  }
0x71: {  	_ =	shalt  }
0x72: {  	_ =	shalt  }
0x73: {  	_ =	shalt  }
0x74: {  	_ =	shalt  }
0x75: {  	_ =	shalt  }
0x76: {  	_ =	shalt  }
0x77: {  	_ =	shalt  }
0x78: {  	_ =	shalt  }
0x79: {  	_ =	shalt  }
0x7a: {  	_ =	shalt  }
0x7b: {  	_ =	shalt  }
0x7c: {  	_ =	shalt  }
0x7d: {  	_ =	shalt  }
0x7e: {  	_ =	shalt  }
0x7f: {  	_ =	shalt  }
0x80: {  	_ =	shalt  }
0x81: {  	_ =	shalt  }
0x82: {  	_ =	shalt  }
0x83: {  	_ =	shalt  }
0x84: {  	_ =	shalt  }
0x85: {  	_ =	shalt  }
0x86: {  	_ =	shalt  }
0x87: {  	_ =	shalt  }
.Lfunc_end0:
.L_simem_size_0:
called_computation_lowered:
.L_overlay_start_0:
0x88: {  	s2 =	sld [smem:$0x3FD9]  }
0x89: {  	s3 =	sld [smem:$0x3FFE];
	_ =	sdelay $0x1  }
0x8a: {  	s1 =	srdreg.scid  }
0x8b: {  	s0 =	sand.u32 $0x1, s1  }
0x8c: {  	s17 =	sshll.u32 s0, $0xA;
	s2 =	sadd.s32 s3, s2  }
0x8d: {  	s2 =	sadd.s32 s2, s17  }
0x8e: {  	[smem:$0x3FC2] =	sst s2  }
0x8f: {  	_ = 	snop  }
0x90: {  	s2 =	sld [smem:$0x3FC9]  }
0x91: {  	s18 =	sld [smem:$0x3FC8]  }
0x92: {  	s4 =	sld [smem:$0x3FD0];
	(tm) =	ssettm $0x1  }
0x93: {  	s5 =	sld [smem:$0x3FFB];
	_ =	sdelay $0x3  }
0x94: {  	_ =	strace s5  }
0x95: {  	s5 =	sld [smem:$0x3FFC];
	_ =	sdelay $0x3  }
0x96: {  	_ =	strace s5  }
0x97: {  	s5 =	sld [smem:$0x3FFD];
	_ =	sdelay $0x3  }
0x98: {  	_ =	strace s5  }
0x99: {  	_ =	strace $0x8FFFFFFF  }
0x9a: {  	s19 =	sld [smem:$0x3FDB];
	_ =	sdelay $0x1  }
0x9b: {  	s6 =	simm.s32 $_scs_section_size  }
0x9c: {  	s7 =	simm.s32 $_size__tile_overlayer_lowered;
	s8 =	simm.s32 $_tile_overlayer_lowered  }
0x9d: {  	s22 =	simm.s32 $0x1BFF;
	s21 =	sshll.u32 s8, $0x1;
	s5 =	sadd.s32 s6, s19  }
0x9e: {  	s9 =	simm.s32 $0x0;
	s20 =	sshll.u32 s7, $0x1;
	s7 =	sadd.s32 s21, s5  }
0x9f: {  	[timem:s9], [sflag:s22] =	dma.local [hbm:s7], s20  }
0xa0: {  	_ =	swait.ge [sflag:s22], s20  }
0xa1: {  	s6 =	ssub.s32 $0x0, s20;
	[sflag:s22] =	ssyncset.done $0x0  }
0xa2: {  	[sflag:s22] =	ssyncadd.s32 s6;
	_ =	sdelay $0x1  }
0xa3: {  	s23 =	simm.s32 $0x1B8B  }
0xa4: {  	_ =	swait.ge [sflag:s23], $0x1  }
0xa5: {  	[sflag:s23] =	ssyncset.done $0x0  }
0xa6: {  	s25 =	simm.s32 $0x1B8E;
	s24 =	sld [smem:$0x3FFE];
	[sflag:s23] =	ssyncadd.s32 $0xFFFFFFFF  }
0xa7: {  	s26 =	simm.s32 $execute0_lowered;
	[smem:$0x3FD2] =	sst s25  }
0xa8: {  	s7 =	sshll.u32 s26, $0x1;
	_ =	strace $0x80000046;
	[dreg:$0x1] =	wrdreg $0xFFFFFFFF  }
0xa9: {  	s28 =	simm.s32 $_size_execute0_lowered;
	s5 =	sadd.s32 s5, s7;
	[dreg:$0x0] =	wrdreg $0x0  }
0xaa: {  	s7 =	sshll.u32 s28, $0x1;
	[dreg:$0x2] =	wrdreg s5  }
0xab: {  	[dreg:$0x3] =	wrdreg s7  }
0xac: {  	[dreg:$0x4] =	wrdreg $0xC0  }
0xad: {  	_ =	task [dreg:s9], $0x5FFFF  }
0xae: {  	[dreg:$0x1] =	wrdreg $0xFFFFFFFF  }
0xaf: {  	[dreg:$0x0] =	wrdreg $0x60  }
0xb0: {  	[dreg:$0x2] =	wrdreg s2  }
0xb1: {  	[dreg:$0x3] =	wrdreg s18  }
0xb2: {  	[dreg:$0x4] =	wrdreg s24  }
0xb3: {  	[dreg:$0x5] =	wrdreg s4  }
0xb4: {  	[dreg:$0x6] =	wrdreg $0x9  }
0xb5: {  	_ =	task.clear_ibuf [dreg:s9], $0x7FFFF;
	_ =	strace $0x90000046  }
0xb6: {  	s29 =	simm.s32 $0x9;
	_ =	strace $0x80000048  }
0xb7: {  	_ =	swait.ge [sflag:s29], $0x1  }
0xb8: {  	[sflag:s29] =	ssyncadd.s32 $0xFFFFFFFF  }
0xb9: {  	_ =	strace $0x90000048  }
0xba: {  	_ =	sfence  }
0xbb: {  	s30 =	sld [smem:$0x0];
	_ =	sdelay $0x2  }
0xbc: {  	s31 =	sshll.u32 s1, $0xD;
	s1 =	sshrl.u32 s1, $0x2  }
0xbd: {  	s3 =	sand.u32 $0x4000, s31;
	s1 =	sadd.s32 s1, s30  }
0xbe: {  	s0 =	sor.u32 s3, s0;
	s1 =	sshll.u32 s1, $0x11  }
0xbf: {  	s0 =	sor.u32 s1, s0  }
0xc0: {  	s0 =	sadd.s32 $0x8F2B, s0  }
0xc1: {  	[sflag:s0] =	ssyncadd.remote.s32 $0x1  }
0xc2: {  	_ =	sfence.sel $0xFFFF  }
0xc3: {  	[dreg:$0x0] =	wrdreg $0xFFFFFFFF;
	(pc) =	sbr.abs _section_cstart, $3  }
0xc4: {  	[dreg:$0x1] =	wrdreg $0xFFFFFFFF  }
0xc5: {  	_ =	task.clear_ibuf [dreg:s9], $0x2FFFF;
	_ =	strace $0x9FFFFFFF  }
0xc6: {  	(tm) =	ssettm $0x7FFFFFFF  }
0xc7: {  	_ =	shalt  }
tec
execute0_lowered:
.L_overlay_start_1:
0x0: {  	(tag) =	ssettag $0x1  }
0x1: {  	s0 =	rddreg [dreg:$0x0]  }
0x2: {  	s3 =	rddreg [dreg:$0x1]  }
0x3: {  	s1 =	rddreg [dreg:$0x2]  }
0x4: {  	s9 =	rddreg [dreg:$0x3];
	s2 =	simm.s32 $0x0  }
0x5: {  	s6 =	srdreg.scid;
	s8 =	stileid.u32;
	s12 =	simm.s32 $0x200  }
0x6: {  	s13 =	simm.s32 $0x80;
	s14 =	simm.s32 $0x400;
	s15 =	simm.s32 $0x4400  }
0x7: {  	s17 =	simm.s32 $0x280;
	s21 =	simm.s32 $0x100;
	s23 =	simm.s32 $0x300  }
0x8: {  	s26 =	simm.s32 $0x8700;
	s28 =	simm.s32 $0x180;
	s29 =	simm.s32 $0x3400  }
0x9: {  	s30 =	simm.s32 $0x380;
	s31 =	simm.s32 $0x7400;
	s16 =	simm.s32 $0x1  }
0xa: {  	s18 =	simm.s32 $0x8800;
	s19 =	simm.s32 $0x0;
	[smem:$0x7FF] =	sst s2  }
0xb: {  	s4 =	sadd.s32 $0x1312E00, s1;
	s5 =	sadd.s32 $0xF42400, s1;
	s6 =	sand.u32 $0x1, s6  }
0xc: {  	s8 =	sshll.u32 s8, $0x7;
	s7 =	ssub.s32 $0x2, s6;
	s10 =	sshll.u32 s6, $0x6  }
0xd: {  	_ =	strace $0x80000047;
	s11 =	sshrl.u32 s7, $0x1;
	s10 =	sor.u32 s10, s8  }
0xe: {  	s6 =	sadd.s32 $0x1EA00, s1;
	s11 =	ssub.s32 s7, s11;
	s7 =	sadd.s32 s0, s10  }
0xf: {  	v0 =	vlaneseq.u32;
	s8 =	sadd.s32 s3, s10;
	s9 =	sadd.s32 s9, s10;
	s0 =	simm.s32 $0x8580  }
0x10: {  	v0 =	vmul.u32 $0x20, v0;
	s3 =	simm.s32 $0x8780;
	s10 =	smax.u32 s11, $0x1;
	s11 =	simm.s32 $0x2  }
.LBB2_1:
0x11: {  	[tilespmem:s2], [sflag:$0x2] =	stream.linear.gather [hbm4b:s7+s2], $0x200, $0x38;
	[tilespmem:$0x8A00] =	vst v63  }
0x12: {  	_ =	swait.ge [sflag:s11], $0x200  }
0x13: {  	[sflag:s11] =	ssyncset.done $0x0  }
0x14: {  	[sflag:s11] =	ssyncadd.s32 $0xFFFFFE00  }
0x15: {  	[tilespmem:s12], [sflag:$0x2] =	stream.linear.gather [hbm4b:s8+s2], $0x200, $0x38;
	[tilespmem:$0x8A00] =	vst v63  }
0x16: {  	_ =	swait.ge [sflag:s11], $0x200  }
0x17: {  	[sflag:s11] =	ssyncset.done $0x0  }
0x18: {  	[sflag:s11] =	ssyncadd.s32 $0xFFFFFE00  }
0x19: {  	[tilespmem:s14], [sflag:$0x1] =	stream.indirect.gather [hbm4b:s4+s13], $0x20, s2, s13, $0xb8;
	[tilespmem:$0x8A00] =	vst v63  }
0x1a: {  	_ = 	snop  }
0x1b: {  	[tilespmem:s15], [sflag:$0x1] =	stream.indirect.gather [hbm4b:s5+s13], $0x20, s12, s13, $0xb8;
	[tilespmem:$0x8A00] =	vst v63  }
0x1c: {  	s20 =	simm.s32 $0x8400  }
0x1d: {  	[tilespmem:s20], [sflag:$0x1] =	stream.indirect.gather [hbm4b:s6+s13], $0x1, s2, s13, $0xb8;
	[tilespmem:$0x8A00] =	vst v63  }
0x1e: {  	s22 =	simm.s32 $0x8600  }
0x1f: {  	[tilespmem:s22], [sflag:$0x1] =	stream.indirect.gather [hbm4b:s1+s13], $0x1, s12, s13, $0xb8;
	[tilespmem:$0x8A00] =	vst v63  }
0x20: {  	s24 =	simm.s32 $0x1400  }
0x21: {  	[tilespmem:s24], [sflag:$0x1] =	stream.indirect.gather [hbm4b:s4+s13], $0x20, s13, s13, $0xb8;
	[tilespmem:$0x8A00] =	vst v63  }
0x22: {  	s25 =	simm.s32 $0x5400  }
0x23: {  	[tilespmem:s25], [sflag:$0x1] =	stream.indirect.gather [hbm4b:s5+s13], $0x20, s17, s13, $0xb8;
	[tilespmem:$0x8A00] =	vst v63  }
0x24: {  	s25 =	simm.s32 $0x8480  }
0x25: {  	[tilespmem:s25], [sflag:$0x1] =	stream.indirect.gather [hbm4b:s6+s13], $0x1, s13, s13, $0xb8;
	[tilespmem:$0x8A00] =	vst v63  }
0x26: {  	s25 =	simm.s32 $0x8680  }
0x27: {  	[tilespmem:s25], [sflag:$0x1] =	stream.indirect.gather [hbm4b:s1+s13], $0x1, s17, s13, $0xb8;
	[tilespmem:$0x8A00] =	vst v63  }
0x28: {  	s25 =	simm.s32 $0x2400  }
0x29: {  	[tilespmem:s25], [sflag:$0x1] =	stream.indirect.gather [hbm4b:s4+s13], $0x20, s21, s13, $0xb8;
	[tilespmem:$0x8A00] =	vst v63  }
0x2a: {  	s25 =	simm.s32 $0x6400  }
0x2b: {  	[tilespmem:s25], [sflag:$0x1] =	stream.indirect.gather [hbm4b:s5+s13], $0x20, s23, s13, $0xb8;
	[tilespmem:$0x8A00] =	vst v63  }
0x2c: {  	s25 =	simm.s32 $0x8500  }
0x2d: {  	[tilespmem:s25], [sflag:$0x1] =	stream.indirect.gather [hbm4b:s6+s13], $0x1, s21, s13, $0xb8;
	[tilespmem:$0x8A00] =	vst v63  }
0x2e: {  	_ = 	snop  }
0x2f: {  	[tilespmem:s26], [sflag:$0x1] =	stream.indirect.gather [hbm4b:s1+s13], $0x1, s23, s13, $0xb8;
	[tilespmem:$0x8A00] =	vst v63  }
0x30: {  	_ = 	snop  }
0x31: {  	[tilespmem:s29], [sflag:$0x1] =	stream.indirect.gather [hbm4b:s4+s13], $0x20, s28, s13, $0xb8;
	[tilespmem:$0x8A00] =	vst v63  }
0x32: {  	_ = 	snop  }
0x33: {  	[tilespmem:s31], [sflag:$0x1] =	stream.indirect.gather [hbm4b:s5+s13], $0x20, s30, s13, $0xb8;
	[tilespmem:$0x8A00] =	vst v63  }
0x34: {  	_ = 	snop  }
0x35: {  	[tilespmem:s0], [sflag:$0x1] =	stream.indirect.gather [hbm4b:s6+s13], $0x1, s28, s13, $0xb8;
	[tilespmem:$0x8A00] =	vst v63  }
0x36: {  	_ = 	snop  }
0x37: {  	[tilespmem:s3], [sflag:$0x1] =	stream.indirect.gather [hbm4b:s1+s13], $0x1, s30, s13, $0xb8;
	[tilespmem:$0x8A00] =	vst v63  }
0x38: {  	_ =	swait.ge [sflag:s16], $0x1000  }
0x39: {  	[sflag:s16] =	ssyncset.done $0x0  }
0x3a: {  	[sflag:s16] =	ssyncadd.s32 $0xFFFFF000  }
0x3b: {  	_ =	swait.ge [sflag:s16], $0x1000  }
0x3c: {  	[sflag:s16] =	ssyncset.done $0x0  }
0x3d: {  	[sflag:s16] =	ssyncadd.s32 $0xFFFFF000  }
0x3e: {  	_ =	swait.ge [sflag:s16], $0x80  }
0x3f: {  	[sflag:s16] =	ssyncset.done $0x0  }
0x40: {  	[sflag:s16] =	ssyncadd.s32 $0xFFFFFF80  }
0x41: {  	_ =	swait.ge [sflag:s16], $0x80  }
0x42: {  	[sflag:s16] =	ssyncset.done $0x0  }
0x43: {  	[sflag:s16] =	ssyncadd.s32 $0xFFFFFF80  }
0x44: {  	_ =	swait.ge [sflag:s16], $0x1000  }
0x45: {  	[sflag:s16] =	ssyncset.done $0x0  }
0x46: {  	[sflag:s16] =	ssyncadd.s32 $0xFFFFF000  }
0x47: {  	_ =	swait.ge [sflag:s16], $0x1000  }
0x48: {  	[sflag:s16] =	ssyncset.done $0x0  }
0x49: {  	[sflag:s16] =	ssyncadd.s32 $0xFFFFF000  }
0x4a: {  	_ =	swait.ge [sflag:s16], $0x80  }
0x4b: {  	[sflag:s16] =	ssyncset.done $0x0  }
0x4c: {  	[sflag:s16] =	ssyncadd.s32 $0xFFFFFF80  }
0x4d: {  	_ =	swait.ge [sflag:s16], $0x80  }
0x4e: {  	[sflag:s16] =	ssyncset.done $0x0  }
0x4f: {  	[sflag:s16] =	ssyncadd.s32 $0xFFFFFF80  }
0x50: {  	_ =	swait.ge [sflag:s16], $0x1000  }
0x51: {  	[sflag:s16] =	ssyncset.done $0x0  }
0x52: {  	[sflag:s16] =	ssyncadd.s32 $0xFFFFF000  }
0x53: {  	_ =	swait.ge [sflag:s16], $0x1000  }
0x54: {  	[sflag:s16] =	ssyncset.done $0x0  }
0x55: {  	[sflag:s16] =	ssyncadd.s32 $0xFFFFF000  }
0x56: {  	_ =	swait.ge [sflag:s16], $0x80  }
0x57: {  	[sflag:s16] =	ssyncset.done $0x0  }
0x58: {  	[sflag:s16] =	ssyncadd.s32 $0xFFFFFF80  }
0x59: {  	_ =	swait.ge [sflag:s16], $0x80  }
0x5a: {  	[sflag:s16] =	ssyncset.done $0x0  }
0x5b: {  	[sflag:s16] =	ssyncadd.s32 $0xFFFFFF80  }
0x5c: {  	_ =	swait.ge [sflag:s16], $0x1000  }
0x5d: {  	[sflag:s16] =	ssyncset.done $0x0  }
0x5e: {  	[sflag:s16] =	ssyncadd.s32 $0xFFFFF000  }
0x5f: {  	_ =	swait.ge [sflag:s16], $0x1000  }
0x60: {  	[sflag:s16] =	ssyncset.done $0x0  }
0x61: {  	[sflag:s16] =	ssyncadd.s32 $0xFFFFF000  }
0x62: {  	v1 =	vmov s2;
	_ =	swait.ge [sflag:s16], $0x80  }
0x63: {  	v1 =	vshll.u32 v1, $0x5;
	[sflag:s16] =	ssyncset.done $0x0  }
0x64: {  	v1 =	vor.u32 v0, v1;
	[sflag:s16] =	ssyncadd.s32 $0xFFFFFF80  }
0x65: {  	_ =	swait.ge [sflag:s16], $0x80  }
0x66: {  	[sflag:s16] =	ssyncset.done $0x0  }
0x67: {  	v2 =	vor.u32 $0x1, v1;
	[sflag:s16] =	ssyncadd.s32 $0xFFFFFF80  }
0x68: {  	v3 =	vld [tilespmem:s22+$0x0]  }
0x69: {  	v4 =	vor.u32 $0x2, v1;
	v5 =	vld.idx.msk [tilespmem:v1+s14+$0x0], $0xffff  }
0x6a: {  	v6 =	vld.idx.msk [tilespmem:v1+s15+$0x0], $0xffff  }
0x6b: {  	v7 =	vor.u32 $0x3, v1;
	v8 =	vld [tilespmem:s20+$0x0]  }
0x6c: {  	v9 =	vld.idx.msk [tilespmem:v2+s14+$0x0], $0xffff  }
0x6d: {  	v10 =	vor.u32 $0x4, v1;
	v2 =	vld.idx.msk [tilespmem:v2+s15+$0x0], $0xffff  }
0x6e: {  	v11 =	vld.idx.msk [tilespmem:v4+s14+$0x0], $0xffff  }
0x6f: {  	v12 =	vor.u32 $0x5, v1;
	v4 =	vld.idx.msk [tilespmem:v4+s15+$0x0], $0xffff  }
0x70: {  	v13 =	vld.idx.msk [tilespmem:v7+s14+$0x0], $0xffff;
	v3 =	vadd.f32 v3, v8;
	v5 =	vmul.f32 v6, v5  }
0x71: {  	v6 =	vld.idx.msk [tilespmem:v7+s15+$0x0], $0xffff;
	v7 =	vor.u32 $0x6, v1  }
0x72: {  	v20 =	vld.idx.msk [tilespmem:v10+s14+$0x0], $0xffff;
	v2 =	vmul.f32 v2, v9;
	v3 =	vadd.f32 v5, v3  }
0x73: {  	v21 =	vor.u32 $0x7, v1;
	v5 =	vld.idx.msk [tilespmem:v10+s15+$0x0], $0xffff  }
0x74: {  	v22 =	vld.idx.msk [tilespmem:v12+s14+$0x0], $0xffff;
	v2 =	vadd.f32 v2, v3;
	v3 =	vmul.f32 v4, v11  }
0x75: {  	v23 =	vor.u32 $0x8, v1;
	v4 =	vld.idx.msk [tilespmem:v12+s15+$0x0], $0xffff  }
0x76: {  	v24 =	vld.idx.msk [tilespmem:v7+s14+$0x0], $0xffff;
	v2 =	vadd.f32 v3, v2;
	v3 =	vmul.f32 v6, v13  }
0x77: {  	v6 =	vld.idx.msk [tilespmem:v7+s15+$0x0], $0xffff;
	v7 =	vor.u32 $0x9, v1  }
0x78: {  	v25 =	vld.idx.msk [tilespmem:v21+s14+$0x0], $0xffff;
	v2 =	vadd.f32 v3, v2;
	v3 =	vmul.f32 v5, v20  }
0x79: {  	v26 =	vor.u32 $0xA, v1;
	v5 =	vld.idx.msk [tilespmem:v21+s15+$0x0], $0xffff  }
0x7a: {  	v27 =	vld.idx.msk [tilespmem:v23+s14+$0x0], $0xffff;
	v2 =	vadd.f32 v3, v2;
	v3 =	vmul.f32 v4, v22  }
0x7b: {  	v28 =	vor.u32 $0xB, v1;
	v4 =	vld.idx.msk [tilespmem:v23+s15+$0x0], $0xffff  }
0x7c: {  	v29 =	vld.idx.msk [tilespmem:v7+s14+$0x0], $0xffff;
	v2 =	vadd.f32 v3, v2;
	v3 =	vmul.f32 v6, v24  }
0x7d: {  	v6 =	vld.idx.msk [tilespmem:v7+s15+$0x0], $0xffff;
	v7 =	vor.u32 $0xC, v1  }
0x7e: {  	v30 =	vld.idx.msk [tilespmem:v26+s14+$0x0], $0xffff;
	v2 =	vadd.f32 v3, v2;
	v3 =	vmul.f32 v5, v25  }
0x7f: {  	v31 =	vor.u32 $0xD, v1;
	v5 =	vld.idx.msk [tilespmem:v26+s15+$0x0], $0xffff  }
0x80: {  	v32 =	vld.idx.msk [tilespmem:v28+s14+$0x0], $0xffff;
	v2 =	vadd.f32 v3, v2;
	v3 =	vmul.f32 v4, v27  }
0x81: {  	v33 =	vor.u32 $0xE, v1;
	v4 =	vld.idx.msk [tilespmem:v28+s15+$0x0], $0xffff  }
0x82: {  	v34 =	vld.idx.msk [tilespmem:v7+s14+$0x0], $0xffff;
	v2 =	vadd.f32 v3, v2;
	v3 =	vmul.f32 v6, v29  }
0x83: {  	v6 =	vld.idx.msk [tilespmem:v7+s15+$0x0], $0xffff;
	v7 =	vor.u32 $0xF, v1  }
0x84: {  	v35 =	vld.idx.msk [tilespmem:v31+s14+$0x0], $0xffff;
	v2 =	vadd.f32 v3, v2;
	v3 =	vmul.f32 v5, v30  }
0x85: {  	v36 =	vor.u32 $0x10, v1;
	v5 =	vld.idx.msk [tilespmem:v31+s15+$0x0], $0xffff  }
0x86: {  	v37 =	vld.idx.msk [tilespmem:v33+s14+$0x0], $0xffff;
	v2 =	vadd.f32 v3, v2;
	v3 =	vmul.f32 v4, v32  }
0x87: {  	v38 =	vor.u32 $0x11, v1;
	v4 =	vld.idx.msk [tilespmem:v33+s15+$0x0], $0xffff  }
0x88: {  	v39 =	vld.idx.msk [tilespmem:v7+s14+$0x0], $0xffff;
	v2 =	vadd.f32 v3, v2;
	v3 =	vmul.f32 v6, v34  }
0x89: {  	v6 =	vld.idx.msk [tilespmem:v7+s15+$0x0], $0xffff;
	v7 =	vor.u32 $0x12, v1  }
0x8a: {  	v40 =	vld.idx.msk [tilespmem:v36+s14+$0x0], $0xffff;
	v2 =	vadd.f32 v3, v2;
	v3 =	vmul.f32 v5, v35  }
0x8b: {  	v41 =	vor.u32 $0x13, v1;
	v5 =	vld.idx.msk [tilespmem:v36+s15+$0x0], $0xffff  }
0x8c: {  	v42 =	vld.idx.msk [tilespmem:v38+s14+$0x0], $0xffff;
	v2 =	vadd.f32 v3, v2;
	v3 =	vmul.f32 v4, v37  }
0x8d: {  	v43 =	vor.u32 $0x14, v1;
	v4 =	vld.idx.msk [tilespmem:v38+s15+$0x0], $0xffff  }
0x8e: {  	v44 =	vld.idx.msk [tilespmem:v7+s14+$0x0], $0xffff;
	v2 =	vadd.f32 v3, v2;
	v3 =	vmul.f32 v6, v39  }
0x8f: {  	v6 =	vld.idx.msk [tilespmem:v7+s15+$0x0], $0xffff;
	v7 =	vor.u32 $0x15, v1  }
0x90: {  	v45 =	vld.idx.msk [tilespmem:v41+s14+$0x0], $0xffff;
	v2 =	vadd.f32 v3, v2;
	v3 =	vmul.f32 v5, v40  }
0x91: {  	v46 =	vor.u32 $0x16, v1;
	v5 =	vld.idx.msk [tilespmem:v41+s15+$0x0], $0xffff  }
0x92: {  	v47 =	vld.idx.msk [tilespmem:v43+s14+$0x0], $0xffff;
	v2 =	vadd.f32 v3, v2;
	v3 =	vmul.f32 v4, v42  }
0x93: {  	v48 =	vor.u32 $0x17, v1;
	v4 =	vld.idx.msk [tilespmem:v43+s15+$0x0], $0xffff  }
0x94: {  	v49 =	vld.idx.msk [tilespmem:v7+s14+$0x0], $0xffff;
	v2 =	vadd.f32 v3, v2;
	v3 =	vmul.f32 v6, v44  }
0x95: {  	v6 =	vld.idx.msk [tilespmem:v7+s15+$0x0], $0xffff;
	v7 =	vor.u32 $0x18, v1  }
0x96: {  	v50 =	vld.idx.msk [tilespmem:v46+s14+$0x0], $0xffff;
	v2 =	vadd.f32 v3, v2;
	v3 =	vmul.f32 v5, v45  }
0x97: {  	v51 =	vor.u32 $0x19, v1;
	v5 =	vld.idx.msk [tilespmem:v46+s15+$0x0], $0xffff  }
0x98: {  	v52 =	vld.idx.msk [tilespmem:v48+s14+$0x0], $0xffff;
	v2 =	vadd.f32 v3, v2;
	v3 =	vmul.f32 v4, v47  }
0x99: {  	v53 =	vor.u32 $0x1A, v1;
	v4 =	vld.idx.msk [tilespmem:v48+s15+$0x0], $0xffff  }
0x9a: {  	v54 =	vld.idx.msk [tilespmem:v7+s14+$0x0], $0xffff;
	v2 =	vadd.f32 v3, v2;
	v3 =	vmul.f32 v6, v49  }
0x9b: {  	v6 =	vld.idx.msk [tilespmem:v7+s15+$0x0], $0xffff;
	v7 =	vor.u32 $0x1B, v1  }
0x9c: {  	v55 =	vld.idx.msk [tilespmem:v51+s14+$0x0], $0xffff;
	v2 =	vadd.f32 v3, v2;
	v3 =	vmul.f32 v5, v50  }
0x9d: {  	v56 =	vor.u32 $0x1C, v1;
	v5 =	vld.idx.msk [tilespmem:v51+s15+$0x0], $0xffff  }
0x9e: {  	v57 =	vld.idx.msk [tilespmem:v53+s14+$0x0], $0xffff;
	v2 =	vadd.f32 v3, v2;
	v3 =	vmul.f32 v4, v52  }
0x9f: {  	v58 =	vor.u32 $0x1D, v1;
	v4 =	vld.idx.msk [tilespmem:v53+s15+$0x0], $0xffff  }
0xa0: {  	v59 =	vld.idx.msk [tilespmem:v7+s14+$0x0], $0xffff;
	v2 =	vadd.f32 v3, v2;
	v3 =	vmul.f32 v6, v54  }
0xa1: {  	v6 =	vld.idx.msk [tilespmem:v7+s15+$0x0], $0xffff;
	v7 =	vor.u32 $0x1E, v1  }
0xa2: {  	v60 =	vld.idx.msk [tilespmem:v56+s14+$0x0], $0xffff;
	v2 =	vadd.f32 v3, v2;
	v3 =	vmul.f32 v5, v55  }
0xa3: {  	v1 =	vor.u32 $0x1F, v1;
	v5 =	vld.idx.msk [tilespmem:v56+s15+$0x0], $0xffff  }
0xa4: {  	v61 =	vld.idx.msk [tilespmem:v58+s14+$0x0], $0xffff;
	v2 =	vadd.f32 v3, v2;
	v3 =	vmul.f32 v4, v57  }
0xa5: {  	v4 =	vld.idx.msk [tilespmem:v58+s15+$0x0], $0xffff  }
0xa6: {  	v62 =	vld.idx.msk [tilespmem:v7+s14+$0x0], $0xffff;
	v2 =	vadd.f32 v3, v2;
	v3 =	vmul.f32 v6, v59  }
0xa7: {  	v6 =	vld.idx.msk [tilespmem:v7+s15+$0x0], $0xffff  }
0xa8: {  	v7 =	vld.idx.msk [tilespmem:v1+s14+$0x0], $0xffff;
	v2 =	vadd.f32 v3, v2;
	v3 =	vmul.f32 v5, v60  }
0xa9: {  	v1 =	vld.idx.msk [tilespmem:v1+s15+$0x0], $0xffff  }
0xaa: {  	v2 =	vadd.f32 v3, v2;
	v3 =	vmul.f32 v4, v61;
	_ =	sdelay $0x1  }
0xab: {  	s24 =	simm.s32 $0x10;
	v2 =	vadd.f32 v3, v2;
	v3 =	vmul.f32 v6, v62  }
0xac: {  	v4 =	vmov s24  }
0xad: {  	v4 =	vshll.u32 v4, $0x5;
	v2 =	vadd.f32 v3, v2;
	v3 =	vmul.f32 v1, v7  }
0xae: {  	v1 =	vor.u32 v0, v4  }
0xaf: {  	v2 =	vadd.f32 v3, v2;
	_ =	sdelay $0x1  }
0xb0: {  	s20 =	simm.s32 $0x8610;
	v3 =	vor.u32 $0x1, v1;
	[tilespmem:s18+$0x0] =	vst v2  }
0xb1: {  	v2 =	vld [tilespmem:s20+$0x0]  }
0xb2: {  	v4 =	vor.u32 $0x2, v1;
	v5 =	vld.idx.msk [tilespmem:v1+s14+$0x0], $0xffff  }
0xb3: {  	s22 =	simm.s32 $0x8410;
	v6 =	vld.idx.msk [tilespmem:v1+s15+$0x0], $0xffff  }
0xb4: {  	v7 =	vor.u32 $0x3, v1;
	v63 =	vld [tilespmem:s22+$0x0]  }
0xb5: {  	v16 =	vld.idx.msk [tilespmem:v3+s14+$0x0], $0xffff  }
0xb6: {  	v17 =	vor.u32 $0x4, v1;
	v3 =	vld.idx.msk [tilespmem:v3+s15+$0x0], $0xffff  }
0xb7: {  	v18 =	vld.idx.msk [tilespmem:v4+s14+$0x0], $0xffff  }
0xb8: {  	v19 =	vor.u32 $0x5, v1;
	v4 =	vld.idx.msk [tilespmem:v4+s15+$0x0], $0xffff  }
0xb9: {  	v20 =	vld.idx.msk [tilespmem:v7+s14+$0x0], $0xffff;
	v2 =	vadd.f32 v2, v63;
	v5 =	vmul.f32 v6, v5  }
0xba: {  	v6 =	vld.idx.msk [tilespmem:v7+s15+$0x0], $0xffff;
	v7 =	vor.u32 $0x6, v1  }
0xbb: {  	v21 =	vld.idx.msk [tilespmem:v17+s14+$0x0], $0xffff;
	v2 =	vadd.f32 v5, v2;
	v3 =	vmul.f32 v3, v16  }
0xbc: {  	v22 =	vor.u32 $0x7, v1;
	v5 =	vld.idx.msk [tilespmem:v17+s15+$0x0], $0xffff  }
0xbd: {  	v23 =	vld.idx.msk [tilespmem:v19+s14+$0x0], $0xffff;
	v2 =	vadd.f32 v3, v2;
	v3 =	vmul.f32 v4, v18  }
0xbe: {  	v24 =	vor.u32 $0x8, v1;
	v4 =	vld.idx.msk [tilespmem:v19+s15+$0x0], $0xffff  }
0xbf: {  	v25 =	vld.idx.msk [tilespmem:v7+s14+$0x0], $0xffff;
	v2 =	vadd.f32 v3, v2;
	v3 =	vmul.f32 v6, v20  }
0xc0: {  	v6 =	vld.idx.msk [tilespmem:v7+s15+$0x0], $0xffff;
	v7 =	vor.u32 $0x9, v1  }
0xc1: {  	v26 =	vld.idx.msk [tilespmem:v22+s14+$0x0], $0xffff;
	v2 =	vadd.f32 v3, v2;
	v3 =	vmul.f32 v5, v21  }
0xc2: {  	v27 =	vor.u32 $0xA, v1;
	v5 =	vld.idx.msk [tilespmem:v22+s15+$0x0], $0xffff  }
0xc3: {  	v28 =	vld.idx.msk [tilespmem:v24+s14+$0x0], $0xffff;
	v2 =	vadd.f32 v3, v2;
	v3 =	vmul.f32 v4, v23  }
0xc4: {  	v29 =	vor.u32 $0xB, v1;
	v4 =	vld.idx.msk [tilespmem:v24+s15+$0x0], $0xffff  }
0xc5: {  	v30 =	vld.idx.msk [tilespmem:v7+s14+$0x0], $0xffff;
	v2 =	vadd.f32 v3, v2;
	v3 =	vmul.f32 v6, v25  }
0xc6: {  	v6 =	vld.idx.msk [tilespmem:v7+s15+$0x0], $0xffff;
	v7 =	vor.u32 $0xC, v1  }
0xc7: {  	v31 =	vld.idx.msk [tilespmem:v27+s14+$0x0], $0xffff;
	v2 =	vadd.f32 v3, v2;
	v3 =	vmul.f32 v5, v26  }
0xc8: {  	v32 =	vor.u32 $0xD, v1;
	v5 =	vld.idx.msk [tilespmem:v27+s15+$0x0], $0xffff  }
0xc9: {  	v33 =	vld.idx.msk [tilespmem:v29+s14+$0x0], $0xffff;
	v2 =	vadd.f32 v3, v2;
	v3 =	vmul.f32 v4, v28  }
0xca: {  	v34 =	vor.u32 $0xE, v1;
	v4 =	vld.idx.msk [tilespmem:v29+s15+$0x0], $0xffff  }
0xcb: {  	v35 =	vld.idx.msk [tilespmem:v7+s14+$0x0], $0xffff;
	v2 =	vadd.f32 v3, v2;
	v3 =	vmul.f32 v6, v30  }
0xcc: {  	v6 =	vld.idx.msk [tilespmem:v7+s15+$0x0], $0xffff;
	v7 =	vor.u32 $0xF, v1  }
0xcd: {  	v36 =	vld.idx.msk [tilespmem:v32+s14+$0x0], $0xffff;
	v2 =	vadd.f32 v3, v2;
	v3 =	vmul.f32 v5, v31  }
0xce: {  	v37 =	vor.u32 $0x10, v1;
	v5 =	vld.idx.msk [tilespmem:v32+s15+$0x0], $0xffff  }
0xcf: {  	v38 =	vld.idx.msk [tilespmem:v34+s14+$0x0], $0xffff;
	v2 =	vadd.f32 v3, v2;
	v3 =	vmul.f32 v4, v33  }
0xd0: {  	v39 =	vor.u32 $0x11, v1;
	v4 =	vld.idx.msk [tilespmem:v34+s15+$0x0], $0xffff  }
0xd1: {  	v40 =	vld.idx.msk [tilespmem:v7+s14+$0x0], $0xffff;
	v2 =	vadd.f32 v3, v2;
	v3 =	vmul.f32 v6, v35  }
0xd2: {  	v6 =	vld.idx.msk [tilespmem:v7+s15+$0x0], $0xffff;
	v7 =	vor.u32 $0x12, v1  }
0xd3: {  	v41 =	vld.idx.msk [tilespmem:v37+s14+$0x0], $0xffff;
	v2 =	vadd.f32 v3, v2;
	v3 =	vmul.f32 v5, v36  }
0xd4: {  	v42 =	vor.u32 $0x13, v1;
	v5 =	vld.idx.msk [tilespmem:v37+s15+$0x0], $0xffff  }
0xd5: {  	v43 =	vld.idx.msk [tilespmem:v39+s14+$0x0], $0xffff;
	v2 =	vadd.f32 v3, v2;
	v3 =	vmul.f32 v4, v38  }
0xd6: {  	v44 =	vor.u32 $0x14, v1;
	v4 =	vld.idx.msk [tilespmem:v39+s15+$0x0], $0xffff  }
0xd7: {  	v45 =	vld.idx.msk [tilespmem:v7+s14+$0x0], $0xffff;
	v2 =	vadd.f32 v3, v2;
	v3 =	vmul.f32 v6, v40  }
0xd8: {  	v6 =	vld.idx.msk [tilespmem:v7+s15+$0x0], $0xffff;
	v7 =	vor.u32 $0x15, v1  }
0xd9: {  	v46 =	vld.idx.msk [tilespmem:v42+s14+$0x0], $0xffff;
	v2 =	vadd.f32 v3, v2;
	v3 =	vmul.f32 v5, v41  }
0xda: {  	v47 =	vor.u32 $0x16, v1;
	v5 =	vld.idx.msk [tilespmem:v42+s15+$0x0], $0xffff  }
0xdb: {  	v48 =	vld.idx.msk [tilespmem:v44+s14+$0x0], $0xffff;
	v2 =	vadd.f32 v3, v2;
	v3 =	vmul.f32 v4, v43  }
0xdc: {  	v49 =	vor.u32 $0x17, v1;
	v4 =	vld.idx.msk [tilespmem:v44+s15+$0x0], $0xffff  }
0xdd: {  	v50 =	vld.idx.msk [tilespmem:v7+s14+$0x0], $0xffff;
	v2 =	vadd.f32 v3, v2;
	v3 =	vmul.f32 v6, v45  }
0xde: {  	v6 =	vld.idx.msk [tilespmem:v7+s15+$0x0], $0xffff;
	v7 =	vor.u32 $0x18, v1  }
0xdf: {  	v51 =	vld.idx.msk [tilespmem:v47+s14+$0x0], $0xffff;
	v2 =	vadd.f32 v3, v2;
	v3 =	vmul.f32 v5, v46  }
0xe0: {  	v52 =	vor.u32 $0x19, v1;
	v5 =	vld.idx.msk [tilespmem:v47+s15+$0x0], $0xffff  }
0xe1: {  	v53 =	vld.idx.msk [tilespmem:v49+s14+$0x0], $0xffff;
	v2 =	vadd.f32 v3, v2;
	v3 =	vmul.f32 v4, v48  }
0xe2: {  	v54 =	vor.u32 $0x1A, v1;
	v4 =	vld.idx.msk [tilespmem:v49+s15+$0x0], $0xffff  }
0xe3: {  	v55 =	vld.idx.msk [tilespmem:v7+s14+$0x0], $0xffff;
	v2 =	vadd.f32 v3, v2;
	v3 =	vmul.f32 v6, v50  }
0xe4: {  	v6 =	vld.idx.msk [tilespmem:v7+s15+$0x0], $0xffff;
	v7 =	vor.u32 $0x1B, v1  }
0xe5: {  	v56 =	vld.idx.msk [tilespmem:v52+s14+$0x0], $0xffff;
	v2 =	vadd.f32 v3, v2;
	v3 =	vmul.f32 v5, v51  }
0xe6: {  	v57 =	vor.u32 $0x1C, v1;
	v5 =	vld.idx.msk [tilespmem:v52+s15+$0x0], $0xffff  }
0xe7: {  	v58 =	vld.idx.msk [tilespmem:v54+s14+$0x0], $0xffff;
	v2 =	vadd.f32 v3, v2;
	v3 =	vmul.f32 v4, v53  }
0xe8: {  	v59 =	vor.u32 $0x1D, v1;
	v4 =	vld.idx.msk [tilespmem:v54+s15+$0x0], $0xffff  }
0xe9: {  	v60 =	vld.idx.msk [tilespmem:v7+s14+$0x0], $0xffff;
	v2 =	vadd.f32 v3, v2;
	v3 =	vmul.f32 v6, v55  }
0xea: {  	v6 =	vld.idx.msk [tilespmem:v7+s15+$0x0], $0xffff;
	v7 =	vor.u32 $0x1E, v1  }
0xeb: {  	v61 =	vld.idx.msk [tilespmem:v57+s14+$0x0], $0xffff;
	v2 =	vadd.f32 v3, v2;
	v3 =	vmul.f32 v5, v56  }
0xec: {  	v1 =	vor.u32 $0x1F, v1;
	v5 =	vld.idx.msk [tilespmem:v57+s15+$0x0], $0xffff  }
0xed: {  	v62 =	vld.idx.msk [tilespmem:v59+s14+$0x0], $0xffff;
	v2 =	vadd.f32 v3, v2;
	v3 =	vmul.f32 v4, v58  }
0xee: {  	v4 =	vld.idx.msk [tilespmem:v59+s15+$0x0], $0xffff  }
0xef: {  	v63 =	vld.idx.msk [tilespmem:v7+s14+$0x0], $0xffff;
	v2 =	vadd.f32 v3, v2;
	v3 =	vmul.f32 v6, v60  }
0xf0: {  	v6 =	vld.idx.msk [tilespmem:v7+s15+$0x0], $0xffff  }
0xf1: {  	v7 =	vld.idx.msk [tilespmem:v1+s14+$0x0], $0xffff;
	v2 =	vadd.f32 v3, v2;
	v3 =	vmul.f32 v5, v61  }
0xf2: {  	v5 =	vld.idx.msk [tilespmem:v1+s15+$0x0], $0xffff  }
0xf3: {  	s25 =	simm.s32 $0x20;
	v1 =	vadd.f32 v3, v2;
	v2 =	vmul.f32 v4, v62  }
0xf4: {  	v3 =	vmov s25  }
0xf5: {  	v3 =	vshll.u32 v3, $0x5;
	v6 =	vmul.f32 v6, v63;
	v4 =	vadd.f32 v2, v1  }
0xf6: {  	v1 =	vor.u32 v0, v3  }
0xf7: {  	v2 =	vor.u32 $0x1, v1;
	v3 =	vadd.f32 v6, v4;
	v4 =	vmul.f32 v5, v7  }
0xf8: {  	s24 =	simm.s32 $0x8800;
	s25 =	simm.s32 $0x30  }
.LBB2_2:
0xf9: {  	p0 =	sne.s32 s25, $0x1F0;
	v3 =	vadd.f32 v4, v3  }
0xfa: {  	s24 =	sadd.s32 $0x10, s24  }
0xfb: {  	[tilespmem:s24+$0x0] =	vst v3  }
0xfc: {  	s20 =	sadd.s32 $0x10, s20;
	v3 =	vld.idx.msk [tilespmem:v2+s14+$0x0], $0xffff  }
0xfd: {  	v5 =	vor.u32 $0x2, v1;
	v4 =	vld [tilespmem:s20+$0x0]  }
0xfe: {  	v6 =	vld.idx.msk [tilespmem:v1+s14+$0x0], $0xffff  }
0xff: {  	v8 =	vor.u32 $0x3, v1;
	s22 =	sadd.s32 $0x10, s22;
	v7 =	vld.idx.msk [tilespmem:v1+s15+$0x0], $0xffff  }
0x100: {  	v9 =	vld [tilespmem:s22+$0x0]  }
0x101: {  	v10 =	vor.u32 $0x4, v1;
	v2 =	vld.idx.msk [tilespmem:v2+s15+$0x0], $0xffff  }
0x102: {  	v11 =	vld.idx.msk [tilespmem:v5+s14+$0x0], $0xffff  }
0x103: {  	v12 =	vor.u32 $0x5, v1;
	v5 =	vld.idx.msk [tilespmem:v5+s15+$0x0], $0xffff  }
0x104: {  	v13 =	vld.idx.msk [tilespmem:v8+s14+$0x0], $0xffff  }
0x105: {  	v6 =	vmul.f32 v7, v6;
	v4 =	vadd.f32 v4, v9;
	v7 =	vld.idx.msk [tilespmem:v8+s15+$0x0], $0xffff;
	v8 =	vor.u32 $0x6, v1  }
0x106: {  	v9 =	vld.idx.msk [tilespmem:v10+s14+$0x0], $0xffff  }
0x107: {  	v2 =	vmul.f32 v2, v3;
	v4 =	vadd.f32 v6, v4;
	v3 =	vld.idx.msk [tilespmem:v10+s15+$0x0], $0xffff;
	v6 =	vor.u32 $0x7, v1  }
0x108: {  	v10 =	vld.idx.msk [tilespmem:v12+s14+$0x0], $0xffff  }
0x109: {  	v2 =	vadd.f32 v2, v4;
	v4 =	vmul.f32 v5, v11;
	v5 =	vld.idx.msk [tilespmem:v12+s15+$0x0], $0xffff;
	v11 =	vor.u32 $0x8, v1  }
0x10a: {  	v12 =	vld.idx.msk [tilespmem:v8+s14+$0x0], $0xffff  }
0x10b: {  	v2 =	vadd.f32 v4, v2;
	v4 =	vmul.f32 v7, v13;
	v7 =	vld.idx.msk [tilespmem:v8+s15+$0x0], $0xffff;
	v8 =	vor.u32 $0x9, v1  }
0x10c: {  	v13 =	vld.idx.msk [tilespmem:v6+s14+$0x0], $0xffff  }
0x10d: {  	v3 =	vmul.f32 v3, v9;
	v2 =	vadd.f32 v4, v2;
	v4 =	vld.idx.msk [tilespmem:v6+s15+$0x0], $0xffff;
	v6 =	vor.u32 $0xA, v1  }
0x10e: {  	v9 =	vld.idx.msk [tilespmem:v11+s14+$0x0], $0xffff  }
0x10f: {  	v2 =	vadd.f32 v3, v2;
	v3 =	vmul.f32 v5, v10;
	v5 =	vld.idx.msk [tilespmem:v11+s15+$0x0], $0xffff;
	v10 =	vor.u32 $0xB, v1  }
0x110: {  	v11 =	vld.idx.msk [tilespmem:v8+s14+$0x0], $0xffff  }
0x111: {  	v2 =	vadd.f32 v3, v2;
	v3 =	vmul.f32 v7, v12;
	v7 =	vld.idx.msk [tilespmem:v8+s15+$0x0], $0xffff;
	v8 =	vor.u32 $0xC, v1  }
0x112: {  	v12 =	vld.idx.msk [tilespmem:v6+s14+$0x0], $0xffff  }
0x113: {  	v2 =	vadd.f32 v3, v2;
	v3 =	vmul.f32 v4, v13;
	v4 =	vld.idx.msk [tilespmem:v6+s15+$0x0], $0xffff;
	v6 =	vor.u32 $0xD, v1  }
0x114: {  	v13 =	vld.idx.msk [tilespmem:v10+s14+$0x0], $0xffff  }
0x115: {  	v2 =	vadd.f32 v3, v2;
	v3 =	vmul.f32 v5, v9;
	v5 =	vld.idx.msk [tilespmem:v10+s15+$0x0], $0xffff;
	v9 =	vor.u32 $0xE, v1  }
0x116: {  	v10 =	vld.idx.msk [tilespmem:v8+s14+$0x0], $0xffff  }
0x117: {  	v2 =	vadd.f32 v3, v2;
	v3 =	vmul.f32 v7, v11;
	v7 =	vld.idx.msk [tilespmem:v8+s15+$0x0], $0xffff;
	v8 =	vor.u32 $0xF, v1  }
0x118: {  	v11 =	vld.idx.msk [tilespmem:v6+s14+$0x0], $0xffff  }
0x119: {  	v2 =	vadd.f32 v3, v2;
	v3 =	vmul.f32 v4, v12;
	v4 =	vld.idx.msk [tilespmem:v6+s15+$0x0], $0xffff;
	v6 =	vor.u32 $0x10, v1  }
0x11a: {  	v12 =	vld.idx.msk [tilespmem:v9+s14+$0x0], $0xffff  }
0x11b: {  	v2 =	vadd.f32 v3, v2;
	v3 =	vmul.f32 v5, v13;
	v5 =	vld.idx.msk [tilespmem:v9+s15+$0x0], $0xffff;
	v9 =	vor.u32 $0x11, v1  }
0x11c: {  	v13 =	vld.idx.msk [tilespmem:v8+s14+$0x0], $0xffff  }
0x11d: {  	v2 =	vadd.f32 v3, v2;
	v3 =	vmul.f32 v7, v10;
	v7 =	vld.idx.msk [tilespmem:v8+s15+$0x0], $0xffff;
	v8 =	vor.u32 $0x12, v1  }
0x11e: {  	v10 =	vld.idx.msk [tilespmem:v6+s14+$0x0], $0xffff  }
0x11f: {  	v2 =	vadd.f32 v3, v2;
	v3 =	vmul.f32 v4, v11;
	v4 =	vld.idx.msk [tilespmem:v6+s15+$0x0], $0xffff;
	v6 =	vor.u32 $0x13, v1  }
0x120: {  	v11 =	vld.idx.msk [tilespmem:v9+s14+$0x0], $0xffff  }
0x121: {  	v2 =	vadd.f32 v3, v2;
	v3 =	vmul.f32 v5, v12;
	v5 =	vld.idx.msk [tilespmem:v9+s15+$0x0], $0xffff;
	v9 =	vor.u32 $0x14, v1  }
0x122: {  	v12 =	vld.idx.msk [tilespmem:v8+s14+$0x0], $0xffff  }
0x123: {  	v2 =	vadd.f32 v3, v2;
	v3 =	vmul.f32 v7, v13;
	v7 =	vld.idx.msk [tilespmem:v8+s15+$0x0], $0xffff;
	v8 =	vor.u32 $0x15, v1  }
0x124: {  	v13 =	vld.idx.msk [tilespmem:v6+s14+$0x0], $0xffff  }
0x125: {  	v2 =	vadd.f32 v3, v2;
	v3 =	vmul.f32 v4, v10;
	v4 =	vld.idx.msk [tilespmem:v6+s15+$0x0], $0xffff;
	v6 =	vor.u32 $0x16, v1  }
0x126: {  	v10 =	vld.idx.msk [tilespmem:v9+s14+$0x0], $0xffff  }
0x127: {  	v2 =	vadd.f32 v3, v2;
	v3 =	vmul.f32 v5, v11;
	v5 =	vld.idx.msk [tilespmem:v9+s15+$0x0], $0xffff;
	v9 =	vor.u32 $0x17, v1  }
0x128: {  	v11 =	vld.idx.msk [tilespmem:v8+s14+$0x0], $0xffff  }
0x129: {  	v2 =	vadd.f32 v3, v2;
	v3 =	vmul.f32 v7, v12;
	v7 =	vld.idx.msk [tilespmem:v8+s15+$0x0], $0xffff;
	v8 =	vor.u32 $0x18, v1  }
0x12a: {  	v12 =	vld.idx.msk [tilespmem:v6+s14+$0x0], $0xffff  }
0x12b: {  	v2 =	vadd.f32 v3, v2;
	v3 =	vmul.f32 v4, v13;
	v4 =	vld.idx.msk [tilespmem:v6+s15+$0x0], $0xffff;
	v6 =	vor.u32 $0x19, v1  }
0x12c: {  	v13 =	vld.idx.msk [tilespmem:v9+s14+$0x0], $0xffff  }
0x12d: {  	v2 =	vadd.f32 v3, v2;
	v3 =	vmul.f32 v5, v10;
	v5 =	vld.idx.msk [tilespmem:v9+s15+$0x0], $0xffff;
	v9 =	vor.u32 $0x1A, v1  }
0x12e: {  	v10 =	vld.idx.msk [tilespmem:v8+s14+$0x0], $0xffff  }
0x12f: {  	v2 =	vadd.f32 v3, v2;
	v3 =	vmul.f32 v7, v11;
	v7 =	vld.idx.msk [tilespmem:v8+s15+$0x0], $0xffff;
	v8 =	vor.u32 $0x1B, v1  }
0x130: {  	v11 =	vld.idx.msk [tilespmem:v6+s14+$0x0], $0xffff  }
0x131: {  	v2 =	vadd.f32 v3, v2;
	v3 =	vmul.f32 v4, v12;
	v4 =	vld.idx.msk [tilespmem:v6+s15+$0x0], $0xffff;
	v6 =	vor.u32 $0x1C, v1  }
0x132: {  	v12 =	vld.idx.msk [tilespmem:v9+s14+$0x0], $0xffff  }
0x133: {  	v2 =	vadd.f32 v3, v2;
	v3 =	vmul.f32 v5, v13;
	v5 =	vld.idx.msk [tilespmem:v9+s15+$0x0], $0xffff;
	v9 =	vor.u32 $0x1D, v1  }
0x134: {  	v13 =	vld.idx.msk [tilespmem:v8+s14+$0x0], $0xffff  }
0x135: {  	v2 =	vadd.f32 v3, v2;
	v3 =	vmul.f32 v7, v10;
	v7 =	vld.idx.msk [tilespmem:v8+s15+$0x0], $0xffff;
	v8 =	vor.u32 $0x1E, v1  }
0x136: {  	v10 =	vld.idx.msk [tilespmem:v6+s14+$0x0], $0xffff  }
0x137: {  	v1 =	vor.u32 $0x1F, v1;
	v2 =	vadd.f32 v3, v2;
	v3 =	vmul.f32 v4, v11;
	v4 =	vld.idx.msk [tilespmem:v6+s15+$0x0], $0xffff  }
0x138: {  	v6 =	vld.idx.msk [tilespmem:v9+s14+$0x0], $0xffff  }
0x139: {  	v2 =	vadd.f32 v3, v2;
	v3 =	vmul.f32 v5, v12;
	v5 =	vld.idx.msk [tilespmem:v9+s15+$0x0], $0xffff  }
0x13a: {  	v9 =	vld.idx.msk [tilespmem:v8+s14+$0x0], $0xffff  }
0x13b: {  	v2 =	vadd.f32 v3, v2;
	v3 =	vmul.f32 v7, v13;
	v7 =	vld.idx.msk [tilespmem:v8+s15+$0x0], $0xffff  }
0x13c: {  	v8 =	vld.idx.msk [tilespmem:v1+s14+$0x0], $0xffff  }
0x13d: {  	v2 =	vadd.f32 v3, v2;
	v3 =	vmul.f32 v4, v10;
	v4 =	vld.idx.msk [tilespmem:v1+s15+$0x0], $0xffff;
	_ =	sdelay $0x1  }
0x13e: {  	v1 =	vadd.f32 v3, v2;
	v2 =	vmul.f32 v5, v6  }
.Ltmp0:
0x13f: {  	v3 =	vmov s25;
	(pc) =	sbr.rel @p0 .LBB2_2-.Ltmp0, $4  }
0x140: {  	v3 =	vshll.u32 v3, $0x5;
	v6 =	vmul.f32 v7, v9;
	v5 =	vadd.f32 v2, v1  }
0x141: {  	v1 =	vor.u32 v0, v3  }
0x142: {  	v2 =	vor.u32 $0x1, v1;
	v4 =	vmul.f32 v4, v8;
	v3 =	vadd.f32 v6, v5  }
0x143: {  	s25 =	sadd.s32 $0x10, s25  }
0x144: {  	v3 =	vadd.f32 v4, v3  }
0x145: {  	s24 =	sadd.s32 $0x10, s24  }
0x146: {  	s20 =	sadd.s32 $0x10, s20;
	[tilespmem:s24+$0x0] =	vst v3  }
0x147: {  	v3 =	vld [tilespmem:s20+$0x0]  }
0x148: {  	v30 =	vor.u32 $0x2, v1;
	v5 =	vld.idx.msk [tilespmem:v1+s14+$0x0], $0xffff  }
0x149: {  	s22 =	sadd.s32 $0x10, s22;
	v6 =	vld.idx.msk [tilespmem:v1+s15+$0x0], $0xffff  }
0x14a: {  	v7 =	vor.u32 $0x3, v1;
	v8 =	vld [tilespmem:s22+$0x0]  }
0x14b: {  	v9 =	vld.idx.msk [tilespmem:v2+s14+$0x0], $0xffff  }
0x14c: {  	v10 =	vor.u32 $0x4, v1;
	v2 =	vld.idx.msk [tilespmem:v2+s15+$0x0], $0xffff  }
0x14d: {  	v11 =	vld.idx.msk [tilespmem:v30+s14+$0x0], $0xffff  }
0x14e: {  	v12 =	vor.u32 $0x5, v1;
	v4 =	vld.idx.msk [tilespmem:v30+s15+$0x0], $0xffff  }
0x14f: {  	v13 =	vld.idx.msk [tilespmem:v7+s14+$0x0], $0xffff;
	v3 =	vadd.f32 v3, v8;
	v5 =	vmul.f32 v6, v5  }
0x150: {  	v32 =	vor.u32 $0x6, v1;
	v31 =	vld.idx.msk [tilespmem:v7+s15+$0x0], $0xffff  }
0x151: {  	v33 =	vld.idx.msk [tilespmem:v10+s14+$0x0], $0xffff;
	v2 =	vmul.f32 v2, v9;
	v3 =	vadd.f32 v5, v3  }
0x152: {  	v35 =	vor.u32 $0x7, v1;
	v34 =	vld.idx.msk [tilespmem:v10+s15+$0x0], $0xffff  }
0x153: {  	v36 =	vld.idx.msk [tilespmem:v12+s14+$0x0], $0xffff;
	v2 =	vadd.f32 v2, v3;
	v3 =	vmul.f32 v4, v11  }
0x154: {  	v38 =	vor.u32 $0x8, v1;
	v37 =	vld.idx.msk [tilespmem:v12+s15+$0x0], $0xffff  }
0x155: {  	v39 =	vld.idx.msk [tilespmem:v32+s14+$0x0], $0xffff;
	v2 =	vadd.f32 v3, v2;
	v3 =	vmul.f32 v31, v13  }
0x156: {  	v41 =	vor.u32 $0x9, v1;
	v40 =	vld.idx.msk [tilespmem:v32+s15+$0x0], $0xffff  }
0x157: {  	v42 =	vld.idx.msk [tilespmem:v35+s14+$0x0], $0xffff;
	v2 =	vadd.f32 v3, v2;
	v3 =	vmul.f32 v34, v33  }
0x158: {  	v44 =	vor.u32 $0xA, v1;
	v43 =	vld.idx.msk [tilespmem:v35+s15+$0x0], $0xffff  }
0x159: {  	v45 =	vld.idx.msk [tilespmem:v38+s14+$0x0], $0xffff;
	v2 =	vadd.f32 v3, v2;
	v3 =	vmul.f32 v37, v36  }
0x15a: {  	v47 =	vor.u32 $0xB, v1;
	v46 =	vld.idx.msk [tilespmem:v38+s15+$0x0], $0xffff  }
0x15b: {  	v48 =	vld.idx.msk [tilespmem:v41+s14+$0x0], $0xffff;
	v2 =	vadd.f32 v3, v2;
	v3 =	vmul.f32 v40, v39  }
0x15c: {  	v50 =	vor.u32 $0xC, v1;
	v49 =	vld.idx.msk [tilespmem:v41+s15+$0x0], $0xffff  }
0x15d: {  	v51 =	vld.idx.msk [tilespmem:v44+s14+$0x0], $0xffff;
	v2 =	vadd.f32 v3, v2;
	v3 =	vmul.f32 v43, v42  }
0x15e: {  	v53 =	vor.u32 $0xD, v1;
	v52 =	vld.idx.msk [tilespmem:v44+s15+$0x0], $0xffff  }
0x15f: {  	v54 =	vld.idx.msk [tilespmem:v47+s14+$0x0], $0xffff;
	v2 =	vadd.f32 v3, v2;
	v3 =	vmul.f32 v46, v45  }
0x160: {  	v56 =	vor.u32 $0xE, v1;
	v55 =	vld.idx.msk [tilespmem:v47+s15+$0x0], $0xffff  }
0x161: {  	v57 =	vld.idx.msk [tilespmem:v50+s14+$0x0], $0xffff;
	v2 =	vadd.f32 v3, v2;
	v3 =	vmul.f32 v49, v48  }
0x162: {  	v59 =	vor.u32 $0xF, v1;
	v58 =	vld.idx.msk [tilespmem:v50+s15+$0x0], $0xffff  }
0x163: {  	v60 =	vld.idx.msk [tilespmem:v53+s14+$0x0], $0xffff;
	v2 =	vadd.f32 v3, v2;
	v3 =	vmul.f32 v52, v51  }
0x164: {  	v62 =	vor.u32 $0x10, v1;
	v61 =	vld.idx.msk [tilespmem:v53+s15+$0x0], $0xffff  }
0x165: {  	v63 =	vld.idx.msk [tilespmem:v56+s14+$0x0], $0xffff;
	v2 =	vadd.f32 v3, v2;
	v3 =	vmul.f32 v55, v54  }
0x166: {  	v17 =	vor.u32 $0x11, v1;
	v16 =	vld.idx.msk [tilespmem:v56+s15+$0x0], $0xffff  }
0x167: {  	v18 =	vld.idx.msk [tilespmem:v59+s14+$0x0], $0xffff;
	v2 =	vadd.f32 v3, v2;
	v3 =	vmul.f32 v58, v57  }
0x168: {  	v20 =	vor.u32 $0x12, v1;
	v19 =	vld.idx.msk [tilespmem:v59+s15+$0x0], $0xffff  }
0x169: {  	v21 =	vld.idx.msk [tilespmem:v62+s14+$0x0], $0xffff;
	v2 =	vadd.f32 v3, v2;
	v3 =	vmul.f32 v61, v60  }
0x16a: {  	v23 =	vor.u32 $0x13, v1;
	v22 =	vld.idx.msk [tilespmem:v62+s15+$0x0], $0xffff  }
0x16b: {  	v24 =	vld.idx.msk [tilespmem:v17+s14+$0x0], $0xffff;
	v2 =	vadd.f32 v3, v2;
	v3 =	vmul.f32 v16, v63  }
0x16c: {  	v26 =	vor.u32 $0x14, v1;
	v25 =	vld.idx.msk [tilespmem:v17+s15+$0x0], $0xffff  }
0x16d: {  	v27 =	vld.idx.msk [tilespmem:v20+s14+$0x0], $0xffff;
	v2 =	vadd.f32 v3, v2;
	v3 =	vmul.f32 v19, v18  }
0x16e: {  	v29 =	vor.u32 $0x15, v1;
	v28 =	vld.idx.msk [tilespmem:v20+s15+$0x0], $0xffff  }
0x16f: {  	v30 =	vld.idx.msk [tilespmem:v23+s14+$0x0], $0xffff;
	v2 =	vadd.f32 v3, v2;
	v3 =	vmul.f32 v22, v21  }
0x170: {  	v32 =	vor.u32 $0x16, v1;
	v31 =	vld.idx.msk [tilespmem:v23+s15+$0x0], $0xffff  }
0x171: {  	v33 =	vld.idx.msk [tilespmem:v26+s14+$0x0], $0xffff;
	v2 =	vadd.f32 v3, v2;
	v3 =	vmul.f32 v25, v24  }
0x172: {  	v35 =	vor.u32 $0x17, v1;
	v34 =	vld.idx.msk [tilespmem:v26+s15+$0x0], $0xffff  }
0x173: {  	v36 =	vld.idx.msk [tilespmem:v29+s14+$0x0], $0xffff;
	v2 =	vadd.f32 v3, v2;
	v3 =	vmul.f32 v28, v27  }
0x174: {  	v38 =	vor.u32 $0x18, v1;
	v37 =	vld.idx.msk [tilespmem:v29+s15+$0x0], $0xffff  }
0x175: {  	v39 =	vld.idx.msk [tilespmem:v32+s14+$0x0], $0xffff;
	v2 =	vadd.f32 v3, v2;
	v3 =	vmul.f32 v31, v30  }
0x176: {  	v41 =	vor.u32 $0x19, v1;
	v40 =	vld.idx.msk [tilespmem:v32+s15+$0x0], $0xffff  }
0x177: {  	v42 =	vld.idx.msk [tilespmem:v35+s14+$0x0], $0xffff;
	v2 =	vadd.f32 v3, v2;
	v3 =	vmul.f32 v34, v33  }
0x178: {  	v44 =	vor.u32 $0x1A, v1;
	v43 =	vld.idx.msk [tilespmem:v35+s15+$0x0], $0xffff  }
0x179: {  	v45 =	vld.idx.msk [tilespmem:v38+s14+$0x0], $0xffff;
	v2 =	vadd.f32 v3, v2;
	v3 =	vmul.f32 v37, v36  }
0x17a: {  	v47 =	vor.u32 $0x1B, v1;
	v46 =	vld.idx.msk [tilespmem:v38+s15+$0x0], $0xffff  }
0x17b: {  	v48 =	vld.idx.msk [tilespmem:v41+s14+$0x0], $0xffff;
	v2 =	vadd.f32 v3, v2;
	v3 =	vmul.f32 v40, v39  }
0x17c: {  	v50 =	vor.u32 $0x1C, v1;
	v49 =	vld.idx.msk [tilespmem:v41+s15+$0x0], $0xffff  }
0x17d: {  	v51 =	vld.idx.msk [tilespmem:v44+s14+$0x0], $0xffff;
	v2 =	vadd.f32 v3, v2;
	v3 =	vmul.f32 v43, v42  }
0x17e: {  	v53 =	vor.u32 $0x1D, v1;
	v52 =	vld.idx.msk [tilespmem:v44+s15+$0x0], $0xffff  }
0x17f: {  	v54 =	vld.idx.msk [tilespmem:v47+s14+$0x0], $0xffff;
	v2 =	vadd.f32 v3, v2;
	v3 =	vmul.f32 v46, v45  }
0x180: {  	v56 =	vor.u32 $0x1E, v1;
	v55 =	vld.idx.msk [tilespmem:v47+s15+$0x0], $0xffff  }
0x181: {  	v57 =	vld.idx.msk [tilespmem:v50+s14+$0x0], $0xffff;
	v2 =	vadd.f32 v3, v2;
	v3 =	vmul.f32 v49, v48  }
0x182: {  	v1 =	vor.u32 $0x1F, v1;
	v58 =	vld.idx.msk [tilespmem:v50+s15+$0x0], $0xffff  }
0x183: {  	v59 =	vld.idx.msk [tilespmem:v53+s14+$0x0], $0xffff;
	v2 =	vadd.f32 v3, v2;
	v3 =	vmul.f32 v52, v51  }
0x184: {  	v60 =	vld.idx.msk [tilespmem:v53+s15+$0x0], $0xffff  }
0x185: {  	v62 =	vld.idx.msk [tilespmem:v56+s15+$0x0], $0xffff;
	v2 =	vadd.f32 v3, v2;
	v3 =	vmul.f32 v55, v54  }
0x186: {  	v61 =	vld.idx.msk [tilespmem:v56+s14+$0x0], $0xffff  }
0x187: {  	v63 =	vld.idx.msk [tilespmem:v1+s14+$0x0], $0xffff;
	v2 =	vadd.f32 v3, v2;
	v3 =	vmul.f32 v58, v57  }
0x188: {  	v1 =	vld.idx.msk [tilespmem:v1+s15+$0x0], $0xffff  }
0x189: {  	v2 =	vadd.f32 v3, v2;
	v3 =	vmul.f32 v60, v59;
	_ =	sdelay $0x1  }
0x18a: {  	v2 =	vadd.f32 v3, v2;
	v3 =	vmul.f32 v62, v61;
	_ =	sdelay $0x1  }
0x18b: {  	v1 =	vmul.f32 v1, v63;
	v2 =	vadd.f32 v3, v2;
	_ =	sdelay $0x1  }
0x18c: {  	s19 =	sadd.s32 $0x1, s19;
	v1 =	vadd.f32 v1, v2  }
0x18d: {  	s25 =	sadd.s32 $0x10, s24;
	p0 =	sne.s32 s19, s10  }
.Ltmp1:
0x18e: {  	[tilespmem:s25+$0x0] =	vst v1;
	(pc) =	sbr.rel @p0 .LBB2_1-.Ltmp1, $4  }
0x18f: {  	[hbm4b:s9+s2] =	stream.linear.scatter [tilespmem:s18], [sflag:$0x2], $0x200, $0x38;
	[tilespmem:$0x8A00] =	vst v63  }
0x190: {  	_ =	swait.ge [sflag:s11], $0x200  }
0x191: {  	[sflag:s11] =	ssyncset.done $0x0  }
0x192: {  	[sflag:s11] =	ssyncadd.s32 $0xFFFFFE00  }
0x193: {  	_ =	sfence.sel $0x180000  }
0x194: {  	[bflag:$0x0] =	sbarrier.arrive $0xFFFF  }
0x195: {  	_ =	strace $0x90000047  }
0x196: {  	s0 =	stileid.u32;
	[bflag:$0x2] =	sbarrier.arrive $0xFFFF  }
0x197: {  	p0 =	sne.s32 s0, $0x0;
	s0 =	rddreg [dreg:$0x4]  }
0x198: {  	s0 =	sadd.s32 @!p0 $0x100000, s0  }
0x199: {  	[sflag:s0] =	ssyncadd.tile.s32 @!p0 $0x1;
	_ =	shalt  }
.Lfunc_end2:
_tile_overlayer_lowered:
.L_overlay_start_2:
0x19a: {  	(tag) =	ssettag $0x2  }
0x19b: {  	s0 =	rddreg [dreg:$0x0];
	s2 =	stileid.u32  }
0x19c: {  	s1 =	rddreg [dreg:$0x1];
	p0 =	sne.s32 s2, $0x0  }
0x19d: {  	s3 =	rddreg [dreg:$0x2];
	[bflag:$0x3] =	sbarrier.arrive $0xFFFF;
	s2 =	simm.s32 @!p0 $0x1C02  }
0x19e: {  	[timem:s3], [sflag:s2] =	dma.local @!p0 [hbm:s0], s1  }
0x19f: {  	s0 =	simm.s32 @!p0 $0x2  }
0x1a0: {  	_ =	swait.ge @!p0 [sflag:s0], s1  }
0x1a1: {  	s1 =	ssub.s32 @!p0 $0x0, s1;
	[sflag:s0] =	ssyncset.done @!p0 $0x0  }
0x1a2: {  	[sflag:s0] =	ssyncadd.s32 @!p0 s1  }
0x1a3: {  	[bflag:$0x3] =	sbarrier.arrive $0xFFFF  }
0x1a4: {  	_ =	shalt  }

</sc_bundles>
